<compile_context>
chip_gen: v7x
topology: tpu7x:2x2x1
jax: 0.10.2.dev20260603
libtpu: 0.0.44.dev20260713+nightly
codegen_flags: <defaults>
</compile_context>

<pallas_src>
import functools

import jax
import jax.numpy as jnp
from jax import lax
from jax.experimental import pallas as pl
from jax.experimental.pallas import tpu as pltpu
from jax.experimental.pallas import tpu_sc as plsc

_N = 50000
_E = 800000
_T = 6
_HEADS = 2
_C = 16
_HID = 32

_NPAD = 50176
_NW = 32
_EPW = 25600
_EPAD = _EPW * _NW
_CHUNK = 1024
_NCHUNK = _EPW // _CHUNK
_GROUPS = _CHUNK // 16
_SUBROWS = _NPAD // 16


def _sc_edge_pass(src_hbm, dst_hbm, ea_hbm, x_hbm, par_hbm,
                  out_hbm,
                  src_v, dst_v, ea_v, xs_v, xd_v, pay_v, par_v,
                  acc, sem_s, sem_d):
    cid = lax.axis_index("c")
    sid = lax.axis_index("s")
    wid = cid * 16 + sid
    zeros16 = jnp.zeros((16,), jnp.float32)
    iota16 = lax.iota(jnp.int32, 16)

    def _zpay(r, _):
        pay_v[r, pl.ds(0, 16)] = zeros16
        pay_v[r, pl.ds(8, 16)] = zeros16
        return _
    lax.fori_loop(0, _CHUNK, _zpay, None)
    sbase = sid * _SUBROWS
    for j in range(_SUBROWS // _CHUNK):
        pltpu.sync_copy(pay_v, acc.at[pl.ds(sbase + j * _CHUNK, _CHUNK)])
    if _SUBROWS % _CHUNK:
        rem = _SUBROWS % _CHUNK
        pltpu.sync_copy(pay_v.at[pl.ds(0, rem)],
                        acc.at[pl.ds(sbase + (_SUBROWS // _CHUNK) * _CHUNK,
                                     rem)])

    pltpu.sync_copy(par_hbm, par_v)
    cs = [par_v[0, :], par_v[1, :]]
    cd = [par_v[2, :], par_v[3, :]]
    m0 = [par_v[4, :], par_v[5, :]]
    m1 = [par_v[6, :], par_v[7, :]]

    plsc.subcore_barrier()

    wbase = wid * _EPW

    def _chunk(k, _):
        base = wbase + k * _CHUNK
        pltpu.sync_copy(src_hbm.at[pl.ds(base, _CHUNK)], src_v)
        pltpu.sync_copy(dst_hbm.at[pl.ds(base, _CHUNK)], dst_v)
        pltpu.sync_copy(ea_hbm.at[pl.ds(base * 2, _CHUNK * 2)], ea_v)
        cps = pltpu.async_copy(x_hbm.at[src_v], xs_v, sem_s)
        cpd = pltpu.async_copy(x_hbm.at[dst_v], xd_v, sem_d)
        cps.wait()
        cpd.wait()

        def _group(g, _):
            row = g * 16 + iota16
            hs = [plsc.load_gather(xs_v, [row, jnp.full((16,), t, jnp.int32)])
                  for t in range(_T)]
            hd = [plsc.load_gather(xd_v, [row, jnp.full((16,), t, jnp.int32)])
                  for t in range(_T)]
            ea0 = plsc.load_gather(ea_v, [row * 2])
            ea1 = plsc.load_gather(ea_v, [row * 2 + 1])
            for h in range(_HEADS):
                ae = ea0 * m0[h] + ea1 * m1[h]
                for t in range(_T):
                    a = cs[h] * hs[t] + cd[h] * hd[t] + ae
                    a = jnp.maximum(a, 0.2 * a)
                    e = jnp.exp(a)
                    plsc.store_scatter(
                        pay_v, [row, jnp.full((16,), 4 * t + h, jnp.int32)], e)
                    plsc.store_scatter(
                        pay_v, [row, jnp.full((16,), 4 * t + 2 + h, jnp.int32)],
                        e * hs[t])
            return _
        lax.fori_loop(0, _GROUPS, _group, None)
        pltpu.sync_copy(pay_v, acc.at[dst_v], add=True)
        return _
    lax.fori_loop(0, _NCHUNK, _chunk, None)

    plsc.subcore_barrier()
    pltpu.sync_copy(acc.at[pl.ds(sbase, _SUBROWS)],
                    out_hbm.at[cid, pl.ds(sbase, _SUBROWS)])


def _make_sc_call():
    f32 = jnp.float32
    mesh = plsc.VectorSubcoreMesh(core_axis_name="c", subcore_axis_name="s")
    return pl.kernel(
        _sc_edge_pass, mesh=mesh,
        compiler_params=pltpu.CompilerParams(needs_layout_passes=False,
                                             use_tc_tiling_on_sc=False),
        out_type=jax.ShapeDtypeStruct((2, _NPAD, 24), f32),
        scratch_types=[
            pltpu.VMEM((_CHUNK,), jnp.int32),
            pltpu.VMEM((_CHUNK,), jnp.int32),
            pltpu.VMEM((2 * _CHUNK,), f32),
            pltpu.VMEM((_CHUNK, 8), f32),
            pltpu.VMEM((_CHUNK, 8), f32),
            pltpu.VMEM((_CHUNK, 24), f32),
            pltpu.VMEM((8, 16), f32),
            pltpu.VMEM_SHARED((_NPAD, 24), f32),
            pltpu.SemaphoreType.DMA,
            pltpu.SemaphoreType.DMA,
        ])


def _tc_node_pass(par_ref, p0_ref, p1_ref, x_ref, wsr_ref, bias_ref,
                  lng_ref, lnb_ref, wih_ref, whh_ref, b_ref,
                  wp1_ref, bp1_ref, wp2_ref, out_ref):
    p = p0_ref[...] + p1_ref[...]
    xb = x_ref[...]
    csum0 = par_ref[0, 0]
    csum1 = par_ref[0, 1]
    bp2 = par_ref[0, 2]
    wsr = wsr_ref[...]
    bias = bias_ref[...]
    lng = lng_ref[...]
    lnb = lnb_ref[...]

    hts = []
    for t in range(_T):
        hv = xb[:, t:t + 1]
        a0 = csum0 * hv
        e0 = jnp.exp(jnp.maximum(a0, 0.2 * a0))
        a1 = csum1 * hv
        e1 = jnp.exp(jnp.maximum(a1, 0.2 * a1))
        den0 = p[:, 4 * t:4 * t + 1] + e0 + 1e-16
        den1 = p[:, 4 * t + 1:4 * t + 2] + e1 + 1e-16
        num0 = p[:, 4 * t + 2:4 * t + 3] + e0 * hv
        num1 = p[:, 4 * t + 3:4 * t + 4] + e1 * hv
        s0 = num0 / den0
        s1 = num1 / den1
        o = jnp.concatenate([s0 * wsr[:, :16], s1 * wsr[:, 16:]], axis=1) + bias
        mu = jnp.mean(o, axis=1, keepdims=True)
        var = jnp.mean((o - mu) ** 2, axis=1, keepdims=True)
        o = (o - mu) * lax.rsqrt(var + 1e-5) * lng + lnb
        o = jnp.where(o > 0, o, jnp.exp(jnp.minimum(o, 0.0)) - 1.0)
        hts.append(o)

    wih = wih_ref[...]
    whh = whh_ref[...]
    b = b_ref[...]
    hh = jnp.zeros_like(hts[0])
    cc = jnp.zeros_like(hts[0])
    for t in range(_T):
        g = (jnp.dot(hts[t], wih, preferred_element_type=jnp.float32)
             + jnp.dot(hh, whh, preferred_element_type=jnp.float32) + b)
        i_ = jax.nn.sigmoid(g[:, 0:32])
        f_ = jax.nn.sigmoid(g[:, 32:64])
        gg = jnp.tanh(g[:, 64:96])
        o_ = jax.nn.sigmoid(g[:, 96:128])
        cc = f_ * cc + i_ * gg
        hh = o_ * jnp.tanh(cc)

    d = jnp.maximum(
        jnp.dot(hh, wp1_ref[...], preferred_element_type=jnp.float32)
        + bp1_ref[...], 0.0)
    d2 = jnp.dot(d, wp2_ref[...], preferred_element_type=jnp.float32) + bp2
    out_ref[...] = xb[:, 5:6] + d2


def kernel(x, edge_index, edge_attr, W_src, W_dst, W_edge, att, bias,
           ln_g, ln_b, W_ih, W_hh, b_ih, b_hh, Wp1, bp1, Wp2, bp2):
    f32 = jnp.float32
    a_src = att[0, :, :_C]
    a_dst = att[0, :, _C:2 * _C]
    a_e = att[0, :, 2 * _C:]
    c_src = (W_src.reshape(_HEADS, _C) * a_src).sum(-1)
    c_dst = (W_dst.reshape(_HEADS, _C) * a_dst).sum(-1)
    m = jnp.stack([(W_edge[:, h * _C:(h + 1) * _C] * a_e[h]).sum(-1)
                   for h in range(_HEADS)], axis=1)
    par8 = jnp.concatenate([c_src, c_dst, m[0], m[1]]).astype(f32)
    par_sc = jnp.broadcast_to(par8[:, None], (8, 16))

    pad_e = _EPAD - _E
    src = jnp.concatenate([edge_index[0], jnp.zeros((pad_e,), jnp.int32)])
    dst = jnp.concatenate([edge_index[1],
                           jnp.full((pad_e,), _N, jnp.int32)])
    eaf = jnp.concatenate([edge_attr.reshape(-1),
                           jnp.zeros((2 * pad_e,), f32)])
    x8 = jnp.zeros((_NPAD, 8), f32).at[:_N, :_T].set(x)

    pp = _make_sc_call()(src, dst, eaf, x8, par_sc)
    p0, p1 = pp[0], pp[1]

    par_tc = jnp.zeros((1, 8), f32)
    par_tc = par_tc.at[0, 0].set(c_src[0] + c_dst[0])
    par_tc = par_tc.at[0, 1].set(c_src[1] + c_dst[1])
    par_tc = par_tc.at[0, 2].set(bp2[0])

    bn = 1024
    grid = _NPAD // bn
    full = lambda shape: pl.BlockSpec(shape, lambda i: (0, 0))
    out8 = pl.pallas_call(
        _tc_node_pass,
        grid=(grid,),
        in_specs=[
            pl.BlockSpec(memory_space=pltpu.SMEM),
            pl.BlockSpec((bn, 24), lambda i: (i, 0)),
            pl.BlockSpec((bn, 24), lambda i: (i, 0)),
            pl.BlockSpec((bn, 8), lambda i: (i, 0)),
            full((1, 32)),
            full((1, 32)),
            full((1, 32)),
            full((1, 32)),
            full((32, 128)),
            full((32, 128)),
            full((1, 128)),
            full((32, 16)),
            full((1, 16)),
            full((16, 8)),
        ],
        out_specs=pl.BlockSpec((bn, 8), lambda i: (i, 0)),
        out_shape=jax.ShapeDtypeStruct((_NPAD, 8), f32),
    )(par_tc, p0, p1, x8, W_src, bias.reshape(1, 32),
      ln_g.reshape(1, 32), ln_b.reshape(1, 32), W_ih.T, W_hh.T,
      (b_ih + b_hh).reshape(1, 128), Wp1, bp1.reshape(1, 16),
      jnp.tile(Wp2, (1, 8)))
    return out8[:_N, 0:1]

# --- scband reference (transcript-rebuilt; emitter-appended) ---
"""Pipeline reference for scband-gatlstm-46600395161734 (READ-ONLY COPY).

The authoritative reference and input builder live on the scoring server;
editing this copy changes nothing except your own understanding.
"""

import jax, jax.numpy as jnp
import numpy as np

N = 50000
E = 800000
T = 6
EDGE_DIM = 2
HEADS = 2
C = 16
HID = 32
LSTM_HID = 32


def _forward(edge_index, x, edge_attr, W_src, W_dst, W_edge, att, bias, ln_g, ln_b, W_ih, W_hh, b_ih, b_hh, Wp1, bp1, Wp2, bp2):
    Nn = x.shape[0]
    loop = jnp.arange(Nn, dtype=edge_index.dtype)
    ei = jnp.concatenate([edge_index, jnp.stack([loop, loop])], axis=1)
    ea = jnp.concatenate([edge_attr, jnp.zeros((Nn, edge_attr.shape[1]), edge_attr.dtype)], axis=0)
    src, dst = ei[0], ei[1]
    e_t = (ea @ W_edge).reshape(-1, HEADS, C)
    a_src = att[:, :, :C]
    a_dst = att[:, :, C:2 * C]
    a_e = att[:, :, 2 * C:]
    alpha_e = (e_t * a_e).sum(-1)
    seq = []
    for t in range(x.shape[1]):
        h = x[:, t:t + 1]
        xs = (h @ W_src).reshape(Nn, HEADS, C)
        xd = (h @ W_dst).reshape(Nn, HEADS, C)
        s_src = (xs * a_src).sum(-1)
        s_dst = (xd * a_dst).sum(-1)
        alpha = s_src[src] + s_dst[dst] + alpha_e
        alpha = jnp.where(alpha >= 0, alpha, 0.2 * alpha)
        m = jax.lax.stop_gradient(jax.ops.segment_max(alpha, dst, num_segments=Nn))
        ex = jnp.exp(alpha - m[dst])
        den = jax.ops.segment_sum(ex, dst, num_segments=Nn)
        a = ex / (den[dst] + 1e-16)
        msg = xs[src] * a[:, :, None]
        out = jax.ops.segment_sum(msg, dst, num_segments=Nn).reshape(Nn, HEADS * C) + bias
        mu = out.mean(-1, keepdims=True)
        var = ((out - mu) ** 2).mean(-1, keepdims=True)
        out = (out - mu) / jnp.sqrt(var + 1e-5) * ln_g + ln_b
        out = jnp.where(out > 0, out, jnp.exp(jnp.minimum(out, 0.0)) - 1.0)
        seq.append(out)
    hseq = jnp.stack(seq)

    def step(carry, xt):
        hp, cp = carry
        g = xt @ W_ih.T + hp @ W_hh.T + b_ih + b_hh
        i_, f_, gg, o_ = jnp.split(g, 4, axis=-1)
        c = jax.nn.sigmoid(f_) * cp + jax.nn.sigmoid(i_) * jnp.tanh(gg)
        hn = jax.nn.sigmoid(o_) * jnp.tanh(c)
        return (hn, c), hn

    init = (jnp.zeros((Nn, LSTM_HID), x.dtype), jnp.zeros((Nn, LSTM_HID), x.dtype))
    _, outs = jax.lax.scan(step, init, hseq)
    last = outs[-1]
    d = jax.nn.relu(last @ Wp1 + bp1) @ Wp2 + bp2
    return x[:, -1:] + d


def setup_inputs(seed: int = 0):
    key = jax.random.key(seed)
    ks = jax.random.split(key, 20)

    def xav(k, shape):
        fan = shape[0] + shape[-1]
        s = float(np.sqrt(6.0 / fan))
        return jax.random.uniform(k, shape, jnp.float32, -s, s)

    inp = {}
    inp["x"] = jax.random.normal(ks[0], (N, T), jnp.float32)
    inp["edge_index"] = jax.random.randint(ks[1], (2, E), 0, N, dtype=jnp.int32)
    inp["edge_attr"] = jax.random.normal(ks[2], (E, EDGE_DIM), jnp.float32)
    inp["W_src"] = xav(ks[3], (1, HEADS * C))
    inp["W_dst"] = xav(ks[4], (1, HEADS * C))
    inp["W_edge"] = xav(ks[5], (EDGE_DIM, HEADS * C))
    inp["att"] = xav(ks[6], (1, HEADS, 3 * C))
    inp["bias"] = jnp.zeros((HEADS * C,), jnp.float32)
    inp["ln_g"] = jnp.ones((HID,), jnp.float32)
    inp["ln_b"] = jnp.zeros((HID,), jnp.float32)
    inp["W_ih"] = xav(ks[7], (4 * LSTM_HID, HID))
    inp["W_hh"] = xav(ks[8], (4 * LSTM_HID, LSTM_HID))
    inp["b_ih"] = jnp.zeros((4 * LSTM_HID,), jnp.float32)
    inp["b_hh"] = jnp.zeros((4 * LSTM_HID,), jnp.float32)
    inp["Wp1"] = xav(ks[9], (LSTM_HID, LSTM_HID // 2))
    inp["bp1"] = jnp.zeros((LSTM_HID // 2,), jnp.float32)
    inp["Wp2"] = xav(ks[10], (LSTM_HID // 2, 1))
    inp["bp2"] = jnp.zeros((1,), jnp.float32)
    return inp


def reference(x, edge_index, edge_attr, W_src, W_dst, W_edge, att, bias, ln_g, ln_b, W_ih, W_hh, b_ih, b_hh, Wp1, bp1, Wp2, bp2):
    return _forward(edge_index, x, edge_attr, W_src, W_dst, W_edge, att, bias, ln_g, ln_b, W_ih, W_hh, b_ih, b_hh, Wp1, bp1, Wp2, bp2)

if __name__ == "__main__":
    import jax
    _d = setup_inputs()
    print(jax.jit(kernel)(*tuple(_d.values())))

</pallas_src>

<mosaic_0001>
#map = affine_map<(d0, d1) -> (0)>
#map1 = affine_map<(d0, d1) -> (0, 0)>
#map2 = affine_map<(d0, d1) -> (0, 0, 0)>
module attributes {stable_mosaic.version = 14 : i64} {
  func.func @_sc_edge_pass(%arg0: i32, %arg1: i32, %arg2: memref<819200xi32, #tpu.memory_space<hbm>>, %arg3: memref<819200xi32, #tpu.memory_space<hbm>>, %arg4: memref<1638400xf32, #tpu.memory_space<hbm>>, %arg5: memref<50176x8xf32, #tpu.memory_space<hbm>>, %arg6: memref<8x16xf32, #tpu.memory_space<hbm>>, %arg7: memref<2x50176x24xf32, #tpu.memory_space<hbm>>, %arg8: memref<1024xi32, #tpu.memory_space<vmem>>, %arg9: memref<1024xi32, #tpu.memory_space<vmem>>, %arg10: memref<2048xf32, #tpu.memory_space<vmem>>, %arg11: memref<1024x8xf32, #tpu.memory_space<vmem>>, %arg12: memref<1024x8xf32, #tpu.memory_space<vmem>>, %arg13: memref<1024x24xf32, #tpu.memory_space<vmem>>, %arg14: memref<8x16xf32, #tpu.memory_space<vmem>>, %arg15: memref<50176x24xf32, #tpu.memory_space<vmem_shared>>, %arg16: memref<!tpu.dma_semaphore, #tpu.memory_space<semaphore_mem>>, %arg17: memref<!tpu.dma_semaphore, #tpu.memory_space<semaphore_mem>>) attributes {dimension_semantics = [#tpu.dimension_semantics<core_parallel>, #tpu.dimension_semantics<subcore_parallel>], iteration_bounds = array<i64: 2, 16>, scalar_prefetch = 0 : i64, scratch_operands = 10 : i64, tpu.core_type = #tpu.core_type<sc_vector_subcore>, window_params = [{transform_indices = #map}, {transform_indices = #map}, {transform_indices = #map}, {transform_indices = #map1}, {transform_indices = #map1}, {transform_indices = #map2}]} {
    %mul3A = arith.constant 16 : i32
    %mul3A_0 = arith.muli %arg0, %mul3A : i32
    %add3A = arith.addi %mul3A_0, %arg1 : i32
    %broadcast_in_dim3A = arith.constant 0.000000e+00 : f32
    %broadcast_in_dim3A_1 = vector.broadcast %broadcast_in_dim3A : f32 to vector<16xf32>
    %iota3A = tpu.iota {dimensions = array<i32: 0>} : vector<16xi32>
    %scan3A = arith.constant 0 : i32
    %scan3A_2 = arith.constant 1024 : i32
    %scan3A_3 = arith.addi %scan3A, %scan3A_2 : i32
    %scan3A_4 = arith.constant 1 : i32
    scf.for %scan3A_55 = %scan3A to %scan3A_3 step %scan3A_4  : i32 {
      %swap3A = arith.index_cast %scan3A_55 : i32 to index
      %swap3A_56 = arith.constant 0 : index
      %swap3A_57 = tpu.vector_load %arg13[%swap3A, %swap3A_56] {strides = array<i32>} : memref<1024x24xf32, #tpu.memory_space<vmem>>, vector<16xf32>,
      tpu.vector_store %arg13[%swap3A, %swap3A_56], %broadcast_in_dim3A_1 {strides = array<i32>} : memref<1024x24xf32, #tpu.memory_space<vmem>>, vector<16xf32>,
      %swap3A_58 = arith.index_cast %scan3A_55 : i32 to index
      %swap3A_59 = arith.constant 8 : index
      %swap3A_60 = tpu.vector_load %arg13[%swap3A_58, %swap3A_59] {strides = array<i32>} : memref<1024x24xf32, #tpu.memory_space<vmem>>, vector<16xf32>,
      tpu.vector_store %arg13[%swap3A_58, %swap3A_59], %broadcast_in_dim3A_1 {strides = array<i32>} : memref<1024x24xf32, #tpu.memory_space<vmem>>, vector<16xf32>,
    }
    %scan3A_5 = arith.constant 1024 : i32
    %mul3A_6 = arith.constant 3136 : i32
    %mul3A_7 = arith.muli %arg1, %mul3A_6 : i32
    %add3A_8 = arith.constant 0 : i32
    %add3A_9 = arith.addi %mul3A_7, %add3A_8 : i32
    "tpu.region"() ({
      %run_scoped3A = tpu.sem_alloc : memref<!tpu.dma_semaphore, #tpu.memory_space<semaphore_mem>>
      %dma_start3A = arith.constant 0 : i32
      %dma_start3A_55 = tpu.memref_slice %arg15[%add3A_9, %dma_start3A] : memref<50176x24xf32, #tpu.memory_space<vmem_shared>> -> memref<1024x24xf32, #tpu.memory_space<vmem_shared>>
      %dma_start3A_56 = arith.constant 0 : i32
      %dma_start3A_57 = tpu.memref_slice %arg15[%add3A_9, %dma_start3A_56] : memref<50176x24xf32, #tpu.memory_space<vmem_shared>> -> memref<1024x24xf32, #tpu.memory_space<vmem_shared>>
      tpu.enqueue_dma source(%arg13 : memref<1024x24xf32, #tpu.memory_space<vmem>>) target(%dma_start3A_57 : memref<1024x24xf32, #tpu.memory_space<vmem_shared>>) target_semaphore(%run_scoped3A : memref<!tpu.dma_semaphore, #tpu.memory_space<semaphore_mem>>)
      %dma_wait3A = arith.constant 0 : i32
      %dma_wait3A_58 = tpu.memref_slice %arg15[%add3A_9, %dma_wait3A] : memref<50176x24xf32, #tpu.memory_space<vmem_shared>> -> memref<1024x24xf32, #tpu.memory_space<vmem_shared>>
      %dma_wait3A_59 = arith.constant 0 : i32
      %dma_wait3A_60 = tpu.memref_slice %arg15[%add3A_9, %dma_wait3A_59] : memref<50176x24xf32, #tpu.memory_space<vmem_shared>> -> memref<1024x24xf32, #tpu.memory_space<vmem_shared>>
      tpu.wait_dma2 semaphore(%run_scoped3A : memref<!tpu.dma_semaphore, #tpu.memory_space<semaphore_mem>>) src(%arg13 : memref<1024x24xf32, #tpu.memory_space<vmem>>) dst(%dma_wait3A_60 : memref<1024x24xf32, #tpu.memory_space<vmem_shared>>)
      tpu.yield
    }) : () -> ()
    %add3A_10 = arith.constant 1024 : i32
    %add3A_11 = arith.addi %mul3A_7, %add3A_10 : i32
    "tpu.region"() ({
      %run_scoped3A = tpu.sem_alloc : memref<!tpu.dma_semaphore, #tpu.memory_space<semaphore_mem>>
      %dma_start3A = arith.constant 0 : i32
      %dma_start3A_55 = tpu.memref_slice %arg15[%add3A_11, %dma_start3A] : memref<50176x24xf32, #tpu.memory_space<vmem_shared>> -> memref<1024x24xf32, #tpu.memory_space<vmem_shared>>
      %dma_start3A_56 = arith.constant 0 : i32
      %dma_start3A_57 = tpu.memref_slice %arg15[%add3A_11, %dma_start3A_56] : memref<50176x24xf32, #tpu.memory_space<vmem_shared>> -> memref<1024x24xf32, #tpu.memory_space<vmem_shared>>
      tpu.enqueue_dma source(%arg13 : memref<1024x24xf32, #tpu.memory_space<vmem>>) target(%dma_start3A_57 : memref<1024x24xf32, #tpu.memory_space<vmem_shared>>) target_semaphore(%run_scoped3A : memref<!tpu.dma_semaphore, #tpu.memory_space<semaphore_mem>>)
      %dma_wait3A = arith.constant 0 : i32
      %dma_wait3A_58 = tpu.memref_slice %arg15[%add3A_11, %dma_wait3A] : memref<50176x24xf32, #tpu.memory_space<vmem_shared>> -> memref<1024x24xf32, #tpu.memory_space<vmem_shared>>
      %dma_wait3A_59 = arith.constant 0 : i32
      %dma_wait3A_60 = tpu.memref_slice %arg15[%add3A_11, %dma_wait3A_59] : memref<50176x24xf32, #tpu.memory_space<vmem_shared>> -> memref<1024x24xf32, #tpu.memory_space<vmem_shared>>
      tpu.wait_dma2 semaphore(%run_scoped3A : memref<!tpu.dma_semaphore, #tpu.memory_space<semaphore_mem>>) src(%arg13 : memref<1024x24xf32, #tpu.memory_space<vmem>>) dst(%dma_wait3A_60 : memref<1024x24xf32, #tpu.memory_space<vmem_shared>>)
      tpu.yield
    }) : () -> ()
    %add3A_12 = arith.constant 2048 : i32
    %add3A_13 = arith.addi %mul3A_7, %add3A_12 : i32
    "tpu.region"() ({
      %run_scoped3A = tpu.sem_alloc : memref<!tpu.dma_semaphore, #tpu.memory_space<semaphore_mem>>
      %dma_start3A = arith.constant 0 : i32
      %dma_start3A_55 = tpu.memref_slice %arg15[%add3A_13, %dma_start3A] : memref<50176x24xf32, #tpu.memory_space<vmem_shared>> -> memref<1024x24xf32, #tpu.memory_space<vmem_shared>>
      %dma_start3A_56 = arith.constant 0 : i32
      %dma_start3A_57 = tpu.memref_slice %arg15[%add3A_13, %dma_start3A_56] : memref<50176x24xf32, #tpu.memory_space<vmem_shared>> -> memref<1024x24xf32, #tpu.memory_space<vmem_shared>>
      tpu.enqueue_dma source(%arg13 : memref<1024x24xf32, #tpu.memory_space<vmem>>) target(%dma_start3A_57 : memref<1024x24xf32, #tpu.memory_space<vmem_shared>>) target_semaphore(%run_scoped3A : memref<!tpu.dma_semaphore, #tpu.memory_space<semaphore_mem>>)
      %dma_wait3A = arith.constant 0 : i32
      %dma_wait3A_58 = tpu.memref_slice %arg15[%add3A_13, %dma_wait3A] : memref<50176x24xf32, #tpu.memory_space<vmem_shared>> -> memref<1024x24xf32, #tpu.memory_space<vmem_shared>>
      %dma_wait3A_59 = arith.constant 0 : i32
      %dma_wait3A_60 = tpu.memref_slice %arg15[%add3A_13, %dma_wait3A_59] : memref<50176x24xf32, #tpu.memory_space<vmem_shared>> -> memref<1024x24xf32, #tpu.memory_space<vmem_shared>>
      tpu.wait_dma2 semaphore(%run_scoped3A : memref<!tpu.dma_semaphore, #tpu.memory_space<semaphore_mem>>) src(%arg13 : memref<1024x24xf32, #tpu.memory_space<vmem>>) dst(%dma_wait3A_60 : memref<1024x24xf32, #tpu.memory_space<vmem_shared>>)
      tpu.yield
    }) : () -> ()
    %add3A_14 = arith.constant 3072 : i32
    %add3A_15 = arith.addi %mul3A_7, %add3A_14 : i32
    "tpu.region"() ({
      %run_scoped3A = tpu.sem_alloc : memref<!tpu.dma_semaphore, #tpu.memory_space<semaphore_mem>>
      %dma_start3A = arith.constant 0 : i32
      %dma_start3A_55 = arith.constant 0 : i32
      %dma_start3A_56 = tpu.memref_slice %arg13[%dma_start3A, %dma_start3A_55] : memref<1024x24xf32, #tpu.memory_space<vmem>> -> memref<64x24xf32, #tpu.memory_space<vmem>>
      %dma_start3A_57 = arith.constant 0 : i32
      %dma_start3A_58 = tpu.memref_slice %arg15[%add3A_15, %dma_start3A_57] : memref<50176x24xf32, #tpu.memory_space<vmem_shared>> -> memref<64x24xf32, #tpu.memory_space<vmem_shared>>
      %dma_start3A_59 = arith.constant 0 : i32
      %dma_start3A_60 = tpu.memref_slice %arg15[%add3A_15, %dma_start3A_59] : memref<50176x24xf32, #tpu.memory_space<vmem_shared>> -> memref<64x24xf32, #tpu.memory_space<vmem_shared>>
      %dma_start3A_61 = arith.constant 0 : i32
      %dma_start3A_62 = arith.constant 0 : i32
      %dma_start3A_63 = tpu.memref_slice %arg13[%dma_start3A_61, %dma_start3A_62] : memref<1024x24xf32, #tpu.memory_space<vmem>> -> memref<64x24xf32, #tpu.memory_space<vmem>>
      tpu.enqueue_dma source(%dma_start3A_63 : memref<64x24xf32, #tpu.memory_space<vmem>>) target(%dma_start3A_60 : memref<64x24xf32, #tpu.memory_space<vmem_shared>>) target_semaphore(%run_scoped3A : memref<!tpu.dma_semaphore, #tpu.memory_space<semaphore_mem>>)
      %dma_wait3A = arith.constant 0 : i32
      %dma_wait3A_64 = arith.constant 0 : i32
      %dma_wait3A_65 = tpu.memref_slice %arg13[%dma_wait3A, %dma_wait3A_64] : memref<1024x24xf32, #tpu.memory_space<vmem>> -> memref<64x24xf32, #tpu.memory_space<vmem>>
      %dma_wait3A_66 = arith.constant 0 : i32
      %dma_wait3A_67 = tpu.memref_slice %arg15[%add3A_15, %dma_wait3A_66] : memref<50176x24xf32, #tpu.memory_space<vmem_shared>> -> memref<64x24xf32, #tpu.memory_space<vmem_shared>>
      %dma_wait3A_68 = arith.constant 0 : i32
      %dma_wait3A_69 = tpu.memref_slice %arg15[%add3A_15, %dma_wait3A_68] : memref<50176x24xf32, #tpu.memory_space<vmem_shared>> -> memref<64x24xf32, #tpu.memory_space<vmem_shared>>
      %dma_wait3A_70 = arith.constant 0 : i32
      %dma_wait3A_71 = arith.constant 0 : i32
      %dma_wait3A_72 = tpu.memref_slice %arg13[%dma_wait3A_70, %dma_wait3A_71] : memref<1024x24xf32, #tpu.memory_space<vmem>> -> memref<64x24xf32, #tpu.memory_space<vmem>>
      tpu.wait_dma2 semaphore(%run_scoped3A : memref<!tpu.dma_semaphore, #tpu.memory_space<semaphore_mem>>) src(%dma_wait3A_72 : memref<64x24xf32, #tpu.memory_space<vmem>>) dst(%dma_wait3A_69 : memref<64x24xf32, #tpu.memory_space<vmem_shared>>)
      tpu.yield
    }) : () -> ()
    "tpu.region"() ({
      %run_scoped3A = tpu.sem_alloc : memref<!tpu.dma_semaphore, #tpu.memory_space<semaphore_mem>>
      tpu.enqueue_dma source(%arg6 : memref<8x16xf32, #tpu.memory_space<hbm>>) target(%arg14 : memref<8x16xf32, #tpu.memory_space<vmem>>) target_semaphore(%run_scoped3A : memref<!tpu.dma_semaphore, #tpu.memory_space<semaphore_mem>>)
      tpu.wait_dma2 semaphore(%run_scoped3A : memref<!tpu.dma_semaphore, #tpu.memory_space<semaphore_mem>>) src(%arg6 : memref<8x16xf32, #tpu.memory_space<hbm>>) dst(%arg14 : memref<8x16xf32, #tpu.memory_space<vmem>>)
      tpu.yield
    }) : () -> ()
    %get3A = arith.constant 0 : i32
    %get3A_16 = arith.index_cast %get3A : i32 to index
    %get3A_17 = arith.constant 0 : index
    %get3A_18 = tpu.vector_load %arg14[%get3A_16, %get3A_17] {strides = array<i32>} : memref<8x16xf32, #tpu.memory_space<vmem>>, vector<16xf32>,
    %get3A_19 = arith.constant 1 : i32
    %get3A_20 = arith.index_cast %get3A_19 : i32 to index
    %get3A_21 = arith.constant 0 : index
    %get3A_22 = tpu.vector_load %arg14[%get3A_20, %get3A_21] {strides = array<i32>} : memref<8x16xf32, #tpu.memory_space<vmem>>, vector<16xf32>,
    %get3A_23 = arith.constant 2 : i32
    %get3A_24 = arith.index_cast %get3A_23 : i32 to index
    %get3A_25 = arith.constant 0 : index
    %get3A_26 = tpu.vector_load %arg14[%get3A_24, %get3A_25] {strides = array<i32>} : memref<8x16xf32, #tpu.memory_space<vmem>>, vector<16xf32>,
    %get3A_27 = arith.constant 3 : i32
    %get3A_28 = arith.index_cast %get3A_27 : i32 to index
    %get3A_29 = arith.constant 0 : index
    %get3A_30 = tpu.vector_load %arg14[%get3A_28, %get3A_29] {strides = array<i32>} : memref<8x16xf32, #tpu.memory_space<vmem>>, vector<16xf32>,
    %get3A_31 = arith.constant 4 : i32
    %get3A_32 = arith.index_cast %get3A_31 : i32 to index
    %get3A_33 = arith.constant 0 : index
    %get3A_34 = tpu.vector_load %arg14[%get3A_32, %get3A_33] {strides = array<i32>} : memref<8x16xf32, #tpu.memory_space<vmem>>, vector<16xf32>,
    %get3A_35 = arith.constant 5 : i32
    %get3A_36 = arith.index_cast %get3A_35 : i32 to index
    %get3A_37 = arith.constant 0 : index
    %get3A_38 = tpu.vector_load %arg14[%get3A_36, %get3A_37] {strides = array<i32>} : memref<8x16xf32, #tpu.memory_space<vmem>>, vector<16xf32>,
    %get3A_39 = arith.constant 6 : i32
    %get3A_40 = arith.index_cast %get3A_39 : i32 to index
    %get3A_41 = arith.constant 0 : index
    %get3A_42 = tpu.vector_load %arg14[%get3A_40, %get3A_41] {strides = array<i32>} : memref<8x16xf32, #tpu.memory_space<vmem>>, vector<16xf32>,
    %get3A_43 = arith.constant 7 : i32
    %get3A_44 = arith.index_cast %get3A_43 : i32 to index
    %get3A_45 = arith.constant 0 : index
    %get3A_46 = tpu.vector_load %arg14[%get3A_44, %get3A_45] {strides = array<i32>} : memref<8x16xf32, #tpu.memory_space<vmem>>, vector<16xf32>,
    %barrier3A = arith.constant 0 : index
    tpu.barrier barrier_id(%barrier3A)
    %mul3A_47 = arith.constant 25600 : i32
    %mul3A_48 = arith.muli %add3A, %mul3A_47 : i32
    %scan3A_49 = arith.constant 0 : i32
    %scan3A_50 = arith.constant 25 : i32
    %scan3A_51 = arith.addi %scan3A_49, %scan3A_50 : i32
    %scan3A_52 = arith.constant 1 : i32
    scf.for %scan3A_55 = %scan3A_49 to %scan3A_51 step %scan3A_52  : i32 {
      %mul3A_56 = arith.constant 1024 : i32
      %mul3A_57 = arith.muli %scan3A_55, %mul3A_56 : i32
      %add3A_58 = arith.addi %mul3A_48, %mul3A_57 : i32
      "tpu.region"() ({
        %run_scoped3A = tpu.sem_alloc : memref<!tpu.dma_semaphore, #tpu.memory_space<semaphore_mem>>
        %dma_start3A_76 = tpu.memref_slice %arg2[%add3A_58] : memref<819200xi32, #tpu.memory_space<hbm>> -> memref<1024xi32, #tpu.memory_space<hbm>>
        %dma_start3A_77 = tpu.memref_slice %arg2[%add3A_58] : memref<819200xi32, #tpu.memory_space<hbm>> -> memref<1024xi32, #tpu.memory_space<hbm>>
        tpu.enqueue_dma source(%dma_start3A_77 : memref<1024xi32, #tpu.memory_space<hbm>>) target(%arg8 : memref<1024xi32, #tpu.memory_space<vmem>>) target_semaphore(%run_scoped3A : memref<!tpu.dma_semaphore, #tpu.memory_space<semaphore_mem>>)
        %dma_wait3A_78 = tpu.memref_slice %arg2[%add3A_58] : memref<819200xi32, #tpu.memory_space<hbm>> -> memref<1024xi32, #tpu.memory_space<hbm>>
        %dma_wait3A_79 = tpu.memref_slice %arg2[%add3A_58] : memref<819200xi32, #tpu.memory_space<hbm>> -> memref<1024xi32, #tpu.memory_space<hbm>>
        tpu.wait_dma2 semaphore(%run_scoped3A : memref<!tpu.dma_semaphore, #tpu.memory_space<semaphore_mem>>) src(%dma_wait3A_79 : memref<1024xi32, #tpu.memory_space<hbm>>) dst(%arg8 : memref<1024xi32, #tpu.memory_space<vmem>>)
        tpu.yield
      }) : () -> ()
      "tpu.region"() ({
        %run_scoped3A = tpu.sem_alloc : memref<!tpu.dma_semaphore, #tpu.memory_space<semaphore_mem>>
        %dma_start3A_76 = tpu.memref_slice %arg3[%add3A_58] : memref<819200xi32, #tpu.memory_space<hbm>> -> memref<1024xi32, #tpu.memory_space<hbm>>
        %dma_start3A_77 = tpu.memref_slice %arg3[%add3A_58] : memref<819200xi32, #tpu.memory_space<hbm>> -> memref<1024xi32, #tpu.memory_space<hbm>>
        tpu.enqueue_dma source(%dma_start3A_77 : memref<1024xi32, #tpu.memory_space<hbm>>) target(%arg9 : memref<1024xi32, #tpu.memory_space<vmem>>) target_semaphore(%run_scoped3A : memref<!tpu.dma_semaphore, #tpu.memory_space<semaphore_mem>>)
        %dma_wait3A_78 = tpu.memref_slice %arg3[%add3A_58] : memref<819200xi32, #tpu.memory_space<hbm>> -> memref<1024xi32, #tpu.memory_space<hbm>>
        %dma_wait3A_79 = tpu.memref_slice %arg3[%add3A_58] : memref<819200xi32, #tpu.memory_space<hbm>> -> memref<1024xi32, #tpu.memory_space<hbm>>
        tpu.wait_dma2 semaphore(%run_scoped3A : memref<!tpu.dma_semaphore, #tpu.memory_space<semaphore_mem>>) src(%dma_wait3A_79 : memref<1024xi32, #tpu.memory_space<hbm>>) dst(%arg9 : memref<1024xi32, #tpu.memory_space<vmem>>)
        tpu.yield
      }) : () -> ()
      %mul3A_59 = arith.constant 2 : i32
      %mul3A_60 = arith.muli %add3A_58, %mul3A_59 : i32
      "tpu.region"() ({
        %run_scoped3A = tpu.sem_alloc : memref<!tpu.dma_semaphore, #tpu.memory_space<semaphore_mem>>
        %dma_start3A_76 = tpu.memref_slice %arg4[%mul3A_60] : memref<1638400xf32, #tpu.memory_space<hbm>> -> memref<2048xf32, #tpu.memory_space<hbm>>
        %dma_start3A_77 = tpu.memref_slice %arg4[%mul3A_60] : memref<1638400xf32, #tpu.memory_space<hbm>> -> memref<2048xf32, #tpu.memory_space<hbm>>
        tpu.enqueue_dma source(%dma_start3A_77 : memref<2048xf32, #tpu.memory_space<hbm>>) target(%arg10 : memref<2048xf32, #tpu.memory_space<vmem>>) target_semaphore(%run_scoped3A : memref<!tpu.dma_semaphore, #tpu.memory_space<semaphore_mem>>)
        %dma_wait3A_78 = tpu.memref_slice %arg4[%mul3A_60] : memref<1638400xf32, #tpu.memory_space<hbm>> -> memref<2048xf32, #tpu.memory_space<hbm>>
        %dma_wait3A_79 = tpu.memref_slice %arg4[%mul3A_60] : memref<1638400xf32, #tpu.memory_space<hbm>> -> memref<2048xf32, #tpu.memory_space<hbm>>
        tpu.wait_dma2 semaphore(%run_scoped3A : memref<!tpu.dma_semaphore, #tpu.memory_space<semaphore_mem>>) src(%dma_wait3A_79 : memref<2048xf32, #tpu.memory_space<hbm>>) dst(%arg10 : memref<2048xf32, #tpu.memory_space<vmem>>)
        tpu.yield
      }) : () -> ()
      %dma_start3A = arith.constant 0 : i32
      %dma_start3A_61 = arith.constant 0 : i32
      %dma_start3A_62 = tpu.memref_slice %arg5[%dma_start3A, %dma_start3A_61] : memref<50176x8xf32, #tpu.memory_space<hbm>> -> memref<50176x8xf32, #tpu.memory_space<hbm>>
      tpu.enqueue_indirect_dma source(%dma_start3A_62 : memref<50176x8xf32, #tpu.memory_space<hbm>>) target(%arg11 : memref<1024x8xf32, #tpu.memory_space<vmem>>) offsets(%arg8 : memref<1024xi32, #tpu.memory_space<vmem>>) semaphore(%arg16 : memref<!tpu.dma_semaphore, #tpu.memory_space<semaphore_mem>>)
      %dma_start3A_63 = arith.constant 0 : i32
      %dma_start3A_64 = arith.constant 0 : i32
      %dma_start3A_65 = tpu.memref_slice %arg5[%dma_start3A_63, %dma_start3A_64] : memref<50176x8xf32, #tpu.memory_space<hbm>> -> memref<50176x8xf32, #tpu.memory_space<hbm>>
      tpu.enqueue_indirect_dma source(%dma_start3A_65 : memref<50176x8xf32, #tpu.memory_space<hbm>>) target(%arg12 : memref<1024x8xf32, #tpu.memory_space<vmem>>) offsets(%arg9 : memref<1024xi32, #tpu.memory_space<vmem>>) semaphore(%arg17 : memref<!tpu.dma_semaphore, #tpu.memory_space<semaphore_mem>>)
      %dma_wait3A = arith.constant 0 : i32
      %dma_wait3A_66 = arith.constant 0 : i32
      %dma_wait3A_67 = tpu.memref_slice %arg5[%dma_wait3A, %dma_wait3A_66] : memref<50176x8xf32, #tpu.memory_space<hbm>> -> memref<50176x8xf32, #tpu.memory_space<hbm>>
      tpu.wait_indirect_dma semaphore(%arg16 : memref<!tpu.dma_semaphore, #tpu.memory_space<semaphore_mem>>) src(%dma_wait3A_67 : memref<50176x8xf32, #tpu.memory_space<hbm>>) dst(%arg11 : memref<1024x8xf32, #tpu.memory_space<vmem>>)
      %dma_wait3A_68 = arith.constant 0 : i32
      %dma_wait3A_69 = arith.constant 0 : i32
      %dma_wait3A_70 = tpu.memref_slice %arg5[%dma_wait3A_68, %dma_wait3A_69] : memref<50176x8xf32, #tpu.memory_space<hbm>> -> memref<50176x8xf32, #tpu.memory_space<hbm>>
      tpu.wait_indirect_dma semaphore(%arg17 : memref<!tpu.dma_semaphore, #tpu.memory_space<semaphore_mem>>) src(%dma_wait3A_70 : memref<50176x8xf32, #tpu.memory_space<hbm>>) dst(%arg12 : memref<1024x8xf32, #tpu.memory_space<vmem>>)
      %scan3A_71 = arith.constant 0 : i32
      %scan3A_72 = arith.constant 64 : i32
      %scan3A_73 = arith.addi %scan3A_71, %scan3A_72 : i32
      %scan3A_74 = arith.constant 1 : i32
      scf.for %scan3A_76 = %scan3A_71 to %scan3A_73 step %scan3A_74  : i32 {
        %mul3A_77 = arith.constant 16 : i32
        %mul3A_78 = arith.muli %scan3A_76, %mul3A_77 : i32
        %add3A_79 = vector.broadcast %mul3A_78 : i32 to vector<16xi32>
        %add3A_80 = arith.addi %add3A_79, %iota3A : vector<16xi32>
        %broadcast_in_dim3A_81 = arith.constant 0 : i32
        %broadcast_in_dim3A_82 = vector.broadcast %broadcast_in_dim3A_81 : i32 to vector<16xi32>
        %gather3A = tpu.vector_load_idx %arg11[%add3A_80, %broadcast_in_dim3A_82] : memref<1024x8xf32, #tpu.memory_space<vmem>>[vector<16xi32>, vector<16xi32>], vector<16xf32>,
        %broadcast_in_dim3A_83 = arith.constant 1 : i32
        %broadcast_in_dim3A_84 = vector.broadcast %broadcast_in_dim3A_83 : i32 to vector<16xi32>
        %gather3A_85 = tpu.vector_load_idx %arg11[%add3A_80, %broadcast_in_dim3A_84] : memref<1024x8xf32, #tpu.memory_space<vmem>>[vector<16xi32>, vector<16xi32>], vector<16xf32>,
        %broadcast_in_dim3A_86 = arith.constant 2 : i32
        %broadcast_in_dim3A_87 = vector.broadcast %broadcast_in_dim3A_86 : i32 to vector<16xi32>
        %gather3A_88 = tpu.vector_load_idx %arg11[%add3A_80, %broadcast_in_dim3A_87] : memref<1024x8xf32, #tpu.memory_space<vmem>>[vector<16xi32>, vector<16xi32>], vector<16xf32>,
        %broadcast_in_dim3A_89 = arith.constant 3 : i32
        %broadcast_in_dim3A_90 = vector.broadcast %broadcast_in_dim3A_89 : i32 to vector<16xi32>
        %gather3A_91 = tpu.vector_load_idx %arg11[%add3A_80, %broadcast_in_dim3A_90] : memref<1024x8xf32, #tpu.memory_space<vmem>>[vector<16xi32>, vector<16xi32>], vector<16xf32>,
        %broadcast_in_dim3A_92 = arith.constant 4 : i32
        %broadcast_in_dim3A_93 = vector.broadcast %broadcast_in_dim3A_92 : i32 to vector<16xi32>
        %gather3A_94 = tpu.vector_load_idx %arg11[%add3A_80, %broadcast_in_dim3A_93] : memref<1024x8xf32, #tpu.memory_space<vmem>>[vector<16xi32>, vector<16xi32>], vector<16xf32>,
        %broadcast_in_dim3A_95 = arith.constant 5 : i32
        %broadcast_in_dim3A_96 = vector.broadcast %broadcast_in_dim3A_95 : i32 to vector<16xi32>
        %gather3A_97 = tpu.vector_load_idx %arg11[%add3A_80, %broadcast_in_dim3A_96] : memref<1024x8xf32, #tpu.memory_space<vmem>>[vector<16xi32>, vector<16xi32>], vector<16xf32>,
        %broadcast_in_dim3A_98 = arith.constant 0 : i32
        %broadcast_in_dim3A_99 = vector.broadcast %broadcast_in_dim3A_98 : i32 to vector<16xi32>
        %gather3A_100 = tpu.vector_load_idx %arg12[%add3A_80, %broadcast_in_dim3A_99] : memref<1024x8xf32, #tpu.memory_space<vmem>>[vector<16xi32>, vector<16xi32>], vector<16xf32>,
        %broadcast_in_dim3A_101 = arith.constant 1 : i32
        %broadcast_in_dim3A_102 = vector.broadcast %broadcast_in_dim3A_101 : i32 to vector<16xi32>
        %gather3A_103 = tpu.vector_load_idx %arg12[%add3A_80, %broadcast_in_dim3A_102] : memref<1024x8xf32, #tpu.memory_space<vmem>>[vector<16xi32>, vector<16xi32>], vector<16xf32>,
        %broadcast_in_dim3A_104 = arith.constant 2 : i32
        %broadcast_in_dim3A_105 = vector.broadcast %broadcast_in_dim3A_104 : i32 to vector<16xi32>
        %gather3A_106 = tpu.vector_load_idx %arg12[%add3A_80, %broadcast_in_dim3A_105] : memref<1024x8xf32, #tpu.memory_space<vmem>>[vector<16xi32>, vector<16xi32>], vector<16xf32>,
        %broadcast_in_dim3A_107 = arith.constant 3 : i32
        %broadcast_in_dim3A_108 = vector.broadcast %broadcast_in_dim3A_107 : i32 to vector<16xi32>
        %gather3A_109 = tpu.vector_load_idx %arg12[%add3A_80, %broadcast_in_dim3A_108] : memref<1024x8xf32, #tpu.memory_space<vmem>>[vector<16xi32>, vector<16xi32>], vector<16xf32>,
        %broadcast_in_dim3A_110 = arith.constant 4 : i32
        %broadcast_in_dim3A_111 = vector.broadcast %broadcast_in_dim3A_110 : i32 to vector<16xi32>
        %gather3A_112 = tpu.vector_load_idx %arg12[%add3A_80, %broadcast_in_dim3A_111] : memref<1024x8xf32, #tpu.memory_space<vmem>>[vector<16xi32>, vector<16xi32>], vector<16xf32>,
        %broadcast_in_dim3A_113 = arith.constant 5 : i32
        %broadcast_in_dim3A_114 = vector.broadcast %broadcast_in_dim3A_113 : i32 to vector<16xi32>
        %gather3A_115 = tpu.vector_load_idx %arg12[%add3A_80, %broadcast_in_dim3A_114] : memref<1024x8xf32, #tpu.memory_space<vmem>>[vector<16xi32>, vector<16xi32>], vector<16xf32>,
        %mul3A_116 = arith.constant 2 : i32
        %mul3A_117 = vector.broadcast %mul3A_116 : i32 to vector<16xi32>
        %mul3A_118 = arith.muli %add3A_80, %mul3A_117 : vector<16xi32>
        %gather3A_119 = tpu.vector_load_idx %arg10[%mul3A_118] : memref<2048xf32, #tpu.memory_space<vmem>>[vector<16xi32>], vector<16xf32>,
        %mul3A_120 = arith.constant 2 : i32
        %mul3A_121 = vector.broadcast %mul3A_120 : i32 to vector<16xi32>
        %mul3A_122 = arith.muli %add3A_80, %mul3A_121 : vector<16xi32>
        %add3A_123 = arith.constant 1 : i32
        %add3A_124 = vector.broadcast %add3A_123 : i32 to vector<16xi32>
        %add3A_125 = arith.addi %mul3A_122, %add3A_124 : vector<16xi32>
        %gather3A_126 = tpu.vector_load_idx %arg10[%add3A_125] : memref<2048xf32, #tpu.memory_space<vmem>>[vector<16xi32>], vector<16xf32>,
        %mul3A_127 = arith.mulf %gather3A_119, %get3A_34 : vector<16xf32>
        %mul3A_128 = arith.mulf %gather3A_126, %get3A_42 : vector<16xf32>
        %add3A_129 = arith.addf %mul3A_127, %mul3A_128 : vector<16xf32>
        %mul3A_130 = arith.mulf %get3A_18, %gather3A : vector<16xf32>
        %mul3A_131 = arith.mulf %get3A_26, %gather3A_100 : vector<16xf32>
        %add3A_132 = arith.addf %mul3A_130, %mul3A_131 : vector<16xf32>
        %add3A_133 = arith.addf %add3A_132, %add3A_129 : vector<16xf32>
        %mul3A_134 = arith.constant 2.000000e-01 : f32
        %mul3A_135 = vector.broadcast %mul3A_134 : f32 to vector<16xf32>
        %mul3A_136 = arith.mulf %mul3A_135, %add3A_133 : vector<16xf32>
        %max3A = arith.maximumf %add3A_133, %mul3A_136 : vector<16xf32>
        %exp3A = math.exp %max3A : vector<16xf32>
        %broadcast_in_dim3A_137 = arith.constant 0 : i32
        %broadcast_in_dim3A_138 = vector.broadcast %broadcast_in_dim3A_137 : i32 to vector<16xi32>
        tpu.vector_store_idx %arg13[%add3A_80, %broadcast_in_dim3A_138], %exp3A : memref<1024x24xf32, #tpu.memory_space<vmem>>[vector<16xi32>, vector<16xi32>], vector<16xf32>,
        %broadcast_in_dim3A_139 = arith.constant 2 : i32
        %broadcast_in_dim3A_140 = vector.broadcast %broadcast_in_dim3A_139 : i32 to vector<16xi32>
        %mul3A_141 = arith.mulf %exp3A, %gather3A : vector<16xf32>
        tpu.vector_store_idx %arg13[%add3A_80, %broadcast_in_dim3A_140], %mul3A_141 : memref<1024x24xf32, #tpu.memory_space<vmem>>[vector<16xi32>, vector<16xi32>], vector<16xf32>,
        %mul3A_142 = arith.mulf %get3A_18, %gather3A_85 : vector<16xf32>
        %mul3A_143 = arith.mulf %get3A_26, %gather3A_103 : vector<16xf32>
        %add3A_144 = arith.addf %mul3A_142, %mul3A_143 : vector<16xf32>
        %add3A_145 = arith.addf %add3A_144, %add3A_129 : vector<16xf32>
        %mul3A_146 = arith.constant 2.000000e-01 : f32
        %mul3A_147 = vector.broadcast %mul3A_146 : f32 to vector<16xf32>
        %mul3A_148 = arith.mulf %mul3A_147, %add3A_145 : vector<16xf32>
        %max3A_149 = arith.maximumf %add3A_145, %mul3A_148 : vector<16xf32>
        %exp3A_150 = math.exp %max3A_149 : vector<16xf32>
        %broadcast_in_dim3A_151 = arith.constant 4 : i32
        %broadcast_in_dim3A_152 = vector.broadcast %broadcast_in_dim3A_151 : i32 to vector<16xi32>
        tpu.vector_store_idx %arg13[%add3A_80, %broadcast_in_dim3A_152], %exp3A_150 : memref<1024x24xf32, #tpu.memory_space<vmem>>[vector<16xi32>, vector<16xi32>], vector<16xf32>,
        %broadcast_in_dim3A_153 = arith.constant 6 : i32
        %broadcast_in_dim3A_154 = vector.broadcast %broadcast_in_dim3A_153 : i32 to vector<16xi32>
        %mul3A_155 = arith.mulf %exp3A_150, %gather3A_85 : vector<16xf32>
        tpu.vector_store_idx %arg13[%add3A_80, %broadcast_in_dim3A_154], %mul3A_155 : memref<1024x24xf32, #tpu.memory_space<vmem>>[vector<16xi32>, vector<16xi32>], vector<16xf32>,
        %mul3A_156 = arith.mulf %get3A_18, %gather3A_88 : vector<16xf32>
        %mul3A_157 = arith.mulf %get3A_26, %gather3A_106 : vector<16xf32>
        %add3A_158 = arith.addf %mul3A_156, %mul3A_157 : vector<16xf32>
        %add3A_159 = arith.addf %add3A_158, %add3A_129 : vector<16xf32>
        %mul3A_160 = arith.constant 2.000000e-01 : f32
        %mul3A_161 = vector.broadcast %mul3A_160 : f32 to vector<16xf32>
        %mul3A_162 = arith.mulf %mul3A_161, %add3A_159 : vector<16xf32>
        %max3A_163 = arith.maximumf %add3A_159, %mul3A_162 : vector<16xf32>
        %exp3A_164 = math.exp %max3A_163 : vector<16xf32>
        %broadcast_in_dim3A_165 = arith.constant 8 : i32
        %broadcast_in_dim3A_166 = vector.broadcast %broadcast_in_dim3A_165 : i32 to vector<16xi32>
        tpu.vector_store_idx %arg13[%add3A_80, %broadcast_in_dim3A_166], %exp3A_164 : memref<1024x24xf32, #tpu.memory_space<vmem>>[vector<16xi32>, vector<16xi32>], vector<16xf32>,
        %broadcast_in_dim3A_167 = arith.constant 10 : i32
        %broadcast_in_dim3A_168 = vector.broadcast %broadcast_in_dim3A_167 : i32 to vector<16xi32>
        %mul3A_169 = arith.mulf %exp3A_164, %gather3A_88 : vector<16xf32>
        tpu.vector_store_idx %arg13[%add3A_80, %broadcast_in_dim3A_168], %mul3A_169 : memref<1024x24xf32, #tpu.memory_space<vmem>>[vector<16xi32>, vector<16xi32>], vector<16xf32>,
        %mul3A_170 = arith.mulf %get3A_18, %gather3A_91 : vector<16xf32>
        %mul3A_171 = arith.mulf %get3A_26, %gather3A_109 : vector<16xf32>
        %add3A_172 = arith.addf %mul3A_170, %mul3A_171 : vector<16xf32>
        %add3A_173 = arith.addf %add3A_172, %add3A_129 : vector<16xf32>
        %mul3A_174 = arith.constant 2.000000e-01 : f32
        %mul3A_175 = vector.broadcast %mul3A_174 : f32 to vector<16xf32>
        %mul3A_176 = arith.mulf %mul3A_175, %add3A_173 : vector<16xf32>
        %max3A_177 = arith.maximumf %add3A_173, %mul3A_176 : vector<16xf32>
        %exp3A_178 = math.exp %max3A_177 : vector<16xf32>
        %broadcast_in_dim3A_179 = arith.constant 12 : i32
        %broadcast_in_dim3A_180 = vector.broadcast %broadcast_in_dim3A_179 : i32 to vector<16xi32>
        tpu.vector_store_idx %arg13[%add3A_80, %broadcast_in_dim3A_180], %exp3A_178 : memref<1024x24xf32, #tpu.memory_space<vmem>>[vector<16xi32>, vector<16xi32>], vector<16xf32>,
        %broadcast_in_dim3A_181 = arith.constant 14 : i32
        %broadcast_in_dim3A_182 = vector.broadcast %broadcast_in_dim3A_181 : i32 to vector<16xi32>
        %mul3A_183 = arith.mulf %exp3A_178, %gather3A_91 : vector<16xf32>
        tpu.vector_store_idx %arg13[%add3A_80, %broadcast_in_dim3A_182], %mul3A_183 : memref<1024x24xf32, #tpu.memory_space<vmem>>[vector<16xi32>, vector<16xi32>], vector<16xf32>,
        %mul3A_184 = arith.mulf %get3A_18, %gather3A_94 : vector<16xf32>
        %mul3A_185 = arith.mulf %get3A_26, %gather3A_112 : vector<16xf32>
        %add3A_186 = arith.addf %mul3A_184, %mul3A_185 : vector<16xf32>
        %add3A_187 = arith.addf %add3A_186, %add3A_129 : vector<16xf32>
        %mul3A_188 = arith.constant 2.000000e-01 : f32
        %mul3A_189 = vector.broadcast %mul3A_188 : f32 to vector<16xf32>
        %mul3A_190 = arith.mulf %mul3A_189, %add3A_187 : vector<16xf32>
        %max3A_191 = arith.maximumf %add3A_187, %mul3A_190 : vector<16xf32>
        %exp3A_192 = math.exp %max3A_191 : vector<16xf32>
        %broadcast_in_dim3A_193 = arith.constant 16 : i32
        %broadcast_in_dim3A_194 = vector.broadcast %broadcast_in_dim3A_193 : i32 to vector<16xi32>
        tpu.vector_store_idx %arg13[%add3A_80, %broadcast_in_dim3A_194], %exp3A_192 : memref<1024x24xf32, #tpu.memory_space<vmem>>[vector<16xi32>, vector<16xi32>], vector<16xf32>,
        %broadcast_in_dim3A_195 = arith.constant 18 : i32
        %broadcast_in_dim3A_196 = vector.broadcast %broadcast_in_dim3A_195 : i32 to vector<16xi32>
        %mul3A_197 = arith.mulf %exp3A_192, %gather3A_94 : vector<16xf32>
        tpu.vector_store_idx %arg13[%add3A_80, %broadcast_in_dim3A_196], %mul3A_197 : memref<1024x24xf32, #tpu.memory_space<vmem>>[vector<16xi32>, vector<16xi32>], vector<16xf32>,
        %mul3A_198 = arith.mulf %get3A_18, %gather3A_97 : vector<16xf32>
        %mul3A_199 = arith.mulf %get3A_26, %gather3A_115 : vector<16xf32>
        %add3A_200 = arith.addf %mul3A_198, %mul3A_199 : vector<16xf32>
        %add3A_201 = arith.addf %add3A_200, %add3A_129 : vector<16xf32>
        %mul3A_202 = arith.constant 2.000000e-01 : f32
        %mul3A_203 = vector.broadcast %mul3A_202 : f32 to vector<16xf32>
        %mul3A_204 = arith.mulf %mul3A_203, %add3A_201 : vector<16xf32>
        %max3A_205 = arith.maximumf %add3A_201, %mul3A_204 : vector<16xf32>
        %exp3A_206 = math.exp %max3A_205 : vector<16xf32>
        %broadcast_in_dim3A_207 = arith.constant 20 : i32
        %broadcast_in_dim3A_208 = vector.broadcast %broadcast_in_dim3A_207 : i32 to vector<16xi32>
        tpu.vector_store_idx %arg13[%add3A_80, %broadcast_in_dim3A_208], %exp3A_206 : memref<1024x24xf32, #tpu.memory_space<vmem>>[vector<16xi32>, vector<16xi32>], vector<16xf32>,
        %broadcast_in_dim3A_209 = arith.constant 22 : i32
        %broadcast_in_dim3A_210 = vector.broadcast %broadcast_in_dim3A_209 : i32 to vector<16xi32>
        %mul3A_211 = arith.mulf %exp3A_206, %gather3A_97 : vector<16xf32>
        tpu.vector_store_idx %arg13[%add3A_80, %broadcast_in_dim3A_210], %mul3A_211 : memref<1024x24xf32, #tpu.memory_space<vmem>>[vector<16xi32>, vector<16xi32>], vector<16xf32>,
        %mul3A_212 = arith.mulf %gather3A_119, %get3A_38 : vector<16xf32>
        %mul3A_213 = arith.mulf %gather3A_126, %get3A_46 : vector<16xf32>
        %add3A_214 = arith.addf %mul3A_212, %mul3A_213 : vector<16xf32>
        %mul3A_215 = arith.mulf %get3A_22, %gather3A : vector<16xf32>
        %mul3A_216 = arith.mulf %get3A_30, %gather3A_100 : vector<16xf32>
        %add3A_217 = arith.addf %mul3A_215, %mul3A_216 : vector<16xf32>
        %add3A_218 = arith.addf %add3A_217, %add3A_214 : vector<16xf32>
        %mul3A_219 = arith.constant 2.000000e-01 : f32
        %mul3A_220 = vector.broadcast %mul3A_219 : f32 to vector<16xf32>
        %mul3A_221 = arith.mulf %mul3A_220, %add3A_218 : vector<16xf32>
        %max3A_222 = arith.maximumf %add3A_218, %mul3A_221 : vector<16xf32>
        %exp3A_223 = math.exp %max3A_222 : vector<16xf32>
        %broadcast_in_dim3A_224 = arith.constant 1 : i32
        %broadcast_in_dim3A_225 = vector.broadcast %broadcast_in_dim3A_224 : i32 to vector<16xi32>
        tpu.vector_store_idx %arg13[%add3A_80, %broadcast_in_dim3A_225], %exp3A_223 : memref<1024x24xf32, #tpu.memory_space<vmem>>[vector<16xi32>, vector<16xi32>], vector<16xf32>,
        %broadcast_in_dim3A_226 = arith.constant 3 : i32
        %broadcast_in_dim3A_227 = vector.broadcast %broadcast_in_dim3A_226 : i32 to vector<16xi32>
        %mul3A_228 = arith.mulf %exp3A_223, %gather3A : vector<16xf32>
        tpu.vector_store_idx %arg13[%add3A_80, %broadcast_in_dim3A_227], %mul3A_228 : memref<1024x24xf32, #tpu.memory_space<vmem>>[vector<16xi32>, vector<16xi32>], vector<16xf32>,
        %mul3A_229 = arith.mulf %get3A_22, %gather3A_85 : vector<16xf32>
        %mul3A_230 = arith.mulf %get3A_30, %gather3A_103 : vector<16xf32>
        %add3A_231 = arith.addf %mul3A_229, %mul3A_230 : vector<16xf32>
        %add3A_232 = arith.addf %add3A_231, %add3A_214 : vector<16xf32>
        %mul3A_233 = arith.constant 2.000000e-01 : f32
        %mul3A_234 = vector.broadcast %mul3A_233 : f32 to vector<16xf32>
        %mul3A_235 = arith.mulf %mul3A_234, %add3A_232 : vector<16xf32>
        %max3A_236 = arith.maximumf %add3A_232, %mul3A_235 : vector<16xf32>
        %exp3A_237 = math.exp %max3A_236 : vector<16xf32>
        %broadcast_in_dim3A_238 = arith.constant 5 : i32
        %broadcast_in_dim3A_239 = vector.broadcast %broadcast_in_dim3A_238 : i32 to vector<16xi32>
        tpu.vector_store_idx %arg13[%add3A_80, %broadcast_in_dim3A_239], %exp3A_237 : memref<1024x24xf32, #tpu.memory_space<vmem>>[vector<16xi32>, vector<16xi32>], vector<16xf32>,
        %broadcast_in_dim3A_240 = arith.constant 7 : i32
        %broadcast_in_dim3A_241 = vector.broadcast %broadcast_in_dim3A_240 : i32 to vector<16xi32>
        %mul3A_242 = arith.mulf %exp3A_237, %gather3A_85 : vector<16xf32>
        tpu.vector_store_idx %arg13[%add3A_80, %broadcast_in_dim3A_241], %mul3A_242 : memref<1024x24xf32, #tpu.memory_space<vmem>>[vector<16xi32>, vector<16xi32>], vector<16xf32>,
        %mul3A_243 = arith.mulf %get3A_22, %gather3A_88 : vector<16xf32>
        %mul3A_244 = arith.mulf %get3A_30, %gather3A_106 : vector<16xf32>
        %add3A_245 = arith.addf %mul3A_243, %mul3A_244 : vector<16xf32>
        %add3A_246 = arith.addf %add3A_245, %add3A_214 : vector<16xf32>
        %mul3A_247 = arith.constant 2.000000e-01 : f32
        %mul3A_248 = vector.broadcast %mul3A_247 : f32 to vector<16xf32>
        %mul3A_249 = arith.mulf %mul3A_248, %add3A_246 : vector<16xf32>
        %max3A_250 = arith.maximumf %add3A_246, %mul3A_249 : vector<16xf32>
        %exp3A_251 = math.exp %max3A_250 : vector<16xf32>
        %broadcast_in_dim3A_252 = arith.constant 9 : i32
        %broadcast_in_dim3A_253 = vector.broadcast %broadcast_in_dim3A_252 : i32 to vector<16xi32>
        tpu.vector_store_idx %arg13[%add3A_80, %broadcast_in_dim3A_253], %exp3A_251 : memref<1024x24xf32, #tpu.memory_space<vmem>>[vector<16xi32>, vector<16xi32>], vector<16xf32>,
        %broadcast_in_dim3A_254 = arith.constant 11 : i32
        %broadcast_in_dim3A_255 = vector.broadcast %broadcast_in_dim3A_254 : i32 to vector<16xi32>
        %mul3A_256 = arith.mulf %exp3A_251, %gather3A_88 : vector<16xf32>
        tpu.vector_store_idx %arg13[%add3A_80, %broadcast_in_dim3A_255], %mul3A_256 : memref<1024x24xf32, #tpu.memory_space<vmem>>[vector<16xi32>, vector<16xi32>], vector<16xf32>,
        %mul3A_257 = arith.mulf %get3A_22, %gather3A_91 : vector<16xf32>
        %mul3A_258 = arith.mulf %get3A_30, %gather3A_109 : vector<16xf32>
        %add3A_259 = arith.addf %mul3A_257, %mul3A_258 : vector<16xf32>
        %add3A_260 = arith.addf %add3A_259, %add3A_214 : vector<16xf32>
        %mul3A_261 = arith.constant 2.000000e-01 : f32
        %mul3A_262 = vector.broadcast %mul3A_261 : f32 to vector<16xf32>
        %mul3A_263 = arith.mulf %mul3A_262, %add3A_260 : vector<16xf32>
        %max3A_264 = arith.maximumf %add3A_260, %mul3A_263 : vector<16xf32>
        %exp3A_265 = math.exp %max3A_264 : vector<16xf32>
        %broadcast_in_dim3A_266 = arith.constant 13 : i32
        %broadcast_in_dim3A_267 = vector.broadcast %broadcast_in_dim3A_266 : i32 to vector<16xi32>
        tpu.vector_store_idx %arg13[%add3A_80, %broadcast_in_dim3A_267], %exp3A_265 : memref<1024x24xf32, #tpu.memory_space<vmem>>[vector<16xi32>, vector<16xi32>], vector<16xf32>,
        %broadcast_in_dim3A_268 = arith.constant 15 : i32
        %broadcast_in_dim3A_269 = vector.broadcast %broadcast_in_dim3A_268 : i32 to vector<16xi32>
        %mul3A_270 = arith.mulf %exp3A_265, %gather3A_91 : vector<16xf32>
        tpu.vector_store_idx %arg13[%add3A_80, %broadcast_in_dim3A_269], %mul3A_270 : memref<1024x24xf32, #tpu.memory_space<vmem>>[vector<16xi32>, vector<16xi32>], vector<16xf32>,
        %mul3A_271 = arith.mulf %get3A_22, %gather3A_94 : vector<16xf32>
        %mul3A_272 = arith.mulf %get3A_30, %gather3A_112 : vector<16xf32>
        %add3A_273 = arith.addf %mul3A_271, %mul3A_272 : vector<16xf32>
        %add3A_274 = arith.addf %add3A_273, %add3A_214 : vector<16xf32>
        %mul3A_275 = arith.constant 2.000000e-01 : f32
        %mul3A_276 = vector.broadcast %mul3A_275 : f32 to vector<16xf32>
        %mul3A_277 = arith.mulf %mul3A_276, %add3A_274 : vector<16xf32>
        %max3A_278 = arith.maximumf %add3A_274, %mul3A_277 : vector<16xf32>
        %exp3A_279 = math.exp %max3A_278 : vector<16xf32>
        %broadcast_in_dim3A_280 = arith.constant 17 : i32
        %broadcast_in_dim3A_281 = vector.broadcast %broadcast_in_dim3A_280 : i32 to vector<16xi32>
        tpu.vector_store_idx %arg13[%add3A_80, %broadcast_in_dim3A_281], %exp3A_279 : memref<1024x24xf32, #tpu.memory_space<vmem>>[vector<16xi32>, vector<16xi32>], vector<16xf32>,
        %broadcast_in_dim3A_282 = arith.constant 19 : i32
        %broadcast_in_dim3A_283 = vector.broadcast %broadcast_in_dim3A_282 : i32 to vector<16xi32>
        %mul3A_284 = arith.mulf %exp3A_279, %gather3A_94 : vector<16xf32>
        tpu.vector_store_idx %arg13[%add3A_80, %broadcast_in_dim3A_283], %mul3A_284 : memref<1024x24xf32, #tpu.memory_space<vmem>>[vector<16xi32>, vector<16xi32>], vector<16xf32>,
        %mul3A_285 = arith.mulf %get3A_22, %gather3A_97 : vector<16xf32>
        %mul3A_286 = arith.mulf %get3A_30, %gather3A_115 : vector<16xf32>
        %add3A_287 = arith.addf %mul3A_285, %mul3A_286 : vector<16xf32>
        %add3A_288 = arith.addf %add3A_287, %add3A_214 : vector<16xf32>
        %mul3A_289 = arith.constant 2.000000e-01 : f32
        %mul3A_290 = vector.broadcast %mul3A_289 : f32 to vector<16xf32>
        %mul3A_291 = arith.mulf %mul3A_290, %add3A_288 : vector<16xf32>
        %max3A_292 = arith.maximumf %add3A_288, %mul3A_291 : vector<16xf32>
        %exp3A_293 = math.exp %max3A_292 : vector<16xf32>
        %broadcast_in_dim3A_294 = arith.constant 21 : i32
        %broadcast_in_dim3A_295 = vector.broadcast %broadcast_in_dim3A_294 : i32 to vector<16xi32>
        tpu.vector_store_idx %arg13[%add3A_80, %broadcast_in_dim3A_295], %exp3A_293 : memref<1024x24xf32, #tpu.memory_space<vmem>>[vector<16xi32>, vector<16xi32>], vector<16xf32>,
        %broadcast_in_dim3A_296 = arith.constant 23 : i32
        %broadcast_in_dim3A_297 = vector.broadcast %broadcast_in_dim3A_296 : i32 to vector<16xi32>
        %mul3A_298 = arith.mulf %exp3A_293, %gather3A_97 : vector<16xf32>
        tpu.vector_store_idx %arg13[%add3A_80, %broadcast_in_dim3A_297], %mul3A_298 : memref<1024x24xf32, #tpu.memory_space<vmem>>[vector<16xi32>, vector<16xi32>], vector<16xf32>,
      }
      %scan3A_75 = arith.constant 64 : i32
      "tpu.region"() ({
        %run_scoped3A = tpu.sem_alloc : memref<!tpu.dma_semaphore, #tpu.memory_space<semaphore_mem>>
        %dma_start3A_76 = arith.constant 0 : i32
        %dma_start3A_77 = arith.constant 0 : i32
        %dma_start3A_78 = tpu.memref_slice %arg15[%dma_start3A_76, %dma_start3A_77] : memref<50176x24xf32, #tpu.memory_space<vmem_shared>> -> memref<50176x24xf32, #tpu.memory_space<vmem_shared>>
        tpu.enqueue_indirect_dma source(%arg13 : memref<1024x24xf32, #tpu.memory_space<vmem>>) target(%dma_start3A_78 : memref<50176x24xf32, #tpu.memory_space<vmem_shared>>) offsets(%arg9 : memref<1024xi32, #tpu.memory_space<vmem>>) semaphore(%run_scoped3A : memref<!tpu.dma_semaphore, #tpu.memory_space<semaphore_mem>>) {add = true}
        %dma_wait3A_79 = arith.constant 0 : i32
        %dma_wait3A_80 = arith.constant 0 : i32
        %dma_wait3A_81 = tpu.memref_slice %arg15[%dma_wait3A_79, %dma_wait3A_80] : memref<50176x24xf32, #tpu.memory_space<vmem_shared>> -> memref<50176x24xf32, #tpu.memory_space<vmem_shared>>
        tpu.wait_indirect_dma semaphore(%run_scoped3A : memref<!tpu.dma_semaphore, #tpu.memory_space<semaphore_mem>>) src(%arg13 : memref<1024x24xf32, #tpu.memory_space<vmem>>) dst(%dma_wait3A_81 : memref<50176x24xf32, #tpu.memory_space<vmem_shared>>)
        tpu.yield
      }) : () -> ()
    }
    %scan3A_53 = arith.constant 25 : i32
    %barrier3A_54 = arith.constant 0 : index
    tpu.barrier barrier_id(%barrier3A_54)
    "tpu.region"() ({
      %run_scoped3A = tpu.sem_alloc : memref<!tpu.dma_semaphore, #tpu.memory_space<semaphore_mem>>
      %dma_start3A = arith.constant 0 : i32
      %dma_start3A_55 = tpu.memref_slice %arg7[%arg0, %mul3A_7, %dma_start3A] : memref<2x50176x24xf32, #tpu.memory_space<hbm>> -> memref<1x3136x24xf32, #tpu.memory_space<hbm>>
      %dma_start3A_56 = tpu.memref_squeeze %dma_start3A_55 : memref<1x3136x24xf32, #tpu.memory_space<hbm>> -> memref<3136x24xf32, #tpu.memory_space<hbm>>
      %dma_start3A_57 = arith.constant 0 : i32
      %dma_start3A_58 = tpu.memref_slice %arg15[%mul3A_7, %dma_start3A_57] : memref<50176x24xf32, #tpu.memory_space<vmem_shared>> -> memref<3136x24xf32, #tpu.memory_space<vmem_shared>>
      tpu.enqueue_dma source(%dma_start3A_58 : memref<3136x24xf32, #tpu.memory_space<vmem_shared>>) target(%dma_start3A_56 : memref<3136x24xf32, #tpu.memory_space<hbm>>) target_semaphore(%run_scoped3A : memref<!tpu.dma_semaphore, #tpu.memory_space<semaphore_mem>>)
      %dma_wait3A = arith.constant 0 : i32
      %dma_wait3A_59 = tpu.memref_slice %arg7[%arg0, %mul3A_7, %dma_wait3A] : memref<2x50176x24xf32, #tpu.memory_space<hbm>> -> memref<1x3136x24xf32, #tpu.memory_space<hbm>>
      %dma_wait3A_60 = tpu.memref_squeeze %dma_wait3A_59 : memref<1x3136x24xf32, #tpu.memory_space<hbm>> -> memref<3136x24xf32, #tpu.memory_space<hbm>>
      %dma_wait3A_61 = arith.constant 0 : i32
      %dma_wait3A_62 = tpu.memref_slice %arg15[%mul3A_7, %dma_wait3A_61] : memref<50176x24xf32, #tpu.memory_space<vmem_shared>> -> memref<3136x24xf32, #tpu.memory_space<vmem_shared>>
      tpu.wait_dma2 semaphore(%run_scoped3A : memref<!tpu.dma_semaphore, #tpu.memory_space<semaphore_mem>>) src(%dma_wait3A_62 : memref<3136x24xf32, #tpu.memory_space<vmem_shared>>) dst(%dma_wait3A_60 : memref<3136x24xf32, #tpu.memory_space<hbm>>)
      tpu.yield
    }) : () -> ()
    return
  }
}

module attributes {stable_mosaic.version = 14 : i64} {
  func.func @_tc_node_pass(%arg0: i32, %arg1: memref<1x8xf32, #tpu.memory_space<smem>>, %arg2: memref<1024x24xf32, #tpu.memory_space<vmem>>, %arg3: memref<1024x24xf32, #tpu.memory_space<vmem>>, %arg4: memref<1024x8xf32, #tpu.memory_space<vmem>>, %arg5: memref<1x32xf32, #tpu.memory_space<vmem>>, %arg6: memref<1x32xf32, #tpu.memory_space<vmem>>, %arg7: memref<1x32xf32, #tpu.memory_space<vmem>>, %arg8: memref<1x32xf32, #tpu.memory_space<vmem>>, %arg9: memref<32x128xf32, #tpu.memory_space<vmem>>, %arg10: memref<32x128xf32, #tpu.memory_space<vmem>>, %arg11: memref<1x128xf32, #tpu.memory_space<vmem>>, %arg12: memref<32x16xf32, #tpu.memory_space<vmem>>, %arg13: memref<1x16xf32, #tpu.memory_space<vmem>>, %arg14: memref<16x8xf32, #tpu.memory_space<vmem>>, %arg15: memref<1024x8xf32, #tpu.memory_space<vmem>>) attributes {dimension_semantics = [#tpu.dimension_semantics<arbitrary>], iteration_bounds = array<i64: 49>, scalar_prefetch = 0 : i64, scratch_operands = 0 : i64, tpu.core_type = #tpu.core_type<tc>, window_params = [{transform_indices = @transform_0, window_bounds = array<i64: 1, 8>}, {transform_indices = @transform_1, window_bounds = array<i64: 1024, 24>}, {transform_indices = @transform_2, window_bounds = array<i64: 1024, 24>}, {transform_indices = @transform_3, window_bounds = array<i64: 1024, 8>}, {pipeline_mode = #tpu.pipeline_mode<synchronous>, transform_indices = @transform_4, window_bounds = array<i64: 1, 32>}, {pipeline_mode = #tpu.pipeline_mode<synchronous>, transform_indices = @transform_5, window_bounds = array<i64: 1, 32>}, {pipeline_mode = #tpu.pipeline_mode<synchronous>, transform_indices = @transform_6, window_bounds = array<i64: 1, 32>}, {pipeline_mode = #tpu.pipeline_mode<synchronous>, transform_indices = @transform_7, window_bounds = array<i64: 1, 32>}, {pipeline_mode = #tpu.pipeline_mode<synchronous>, transform_indices = @transform_8, window_bounds = array<i64: 32, 128>}, {pipeline_mode = #tpu.pipeline_mode<synchronous>, transform_indices = @transform_9, window_bounds = array<i64: 32, 128>}, {pipeline_mode = #tpu.pipeline_mode<synchronous>, transform_indices = @transform_10, window_bounds = array<i64: 1, 128>}, {pipeline_mode = #tpu.pipeline_mode<synchronous>, transform_indices = @transform_11, window_bounds = array<i64: 32, 16>}, {pipeline_mode = #tpu.pipeline_mode<synchronous>, transform_indices = @transform_12, window_bounds = array<i64: 1, 16>}, {pipeline_mode = #tpu.pipeline_mode<synchronous>, transform_indices = @transform_13, window_bounds = array<i64: 16, 8>}, {transform_indices = @transform_14, window_bounds = array<i64: 1024, 8>}]} {
    %get3A = arith.constant 0 : index
    %get3A_0 = arith.constant 0 : index
    %get3A_1 = vector.load %arg2[%get3A, %get3A_0] : memref<1024x24xf32, #tpu.memory_space<vmem>>, vector<1024x24xf32>
    %get3A_2 = arith.constant 0 : index
    %get3A_3 = arith.constant 0 : index
    %get3A_4 = vector.load %arg3[%get3A_2, %get3A_3] : memref<1024x24xf32, #tpu.memory_space<vmem>>, vector<1024x24xf32>
    %add3A = arith.addf %get3A_1, %get3A_4 : vector<1024x24xf32>
    %get3A_5 = arith.constant 0 : index
    %get3A_6 = arith.constant 0 : index
    %get3A_7 = vector.load %arg4[%get3A_5, %get3A_6] : memref<1024x8xf32, #tpu.memory_space<vmem>>, vector<1024x8xf32>
    %get3A_8 = arith.constant 0 : index
    %get3A_9 = arith.constant 0 : index
    %get3A_10 = memref.load %arg1[%get3A_8, %get3A_9] : memref<1x8xf32, #tpu.memory_space<smem>>
    %get3A_11 = arith.constant 0 : index
    %get3A_12 = arith.constant 1 : index
    %get3A_13 = memref.load %arg1[%get3A_11, %get3A_12] : memref<1x8xf32, #tpu.memory_space<smem>>
    %get3A_14 = arith.constant 0 : index
    %get3A_15 = arith.constant 2 : index
    %get3A_16 = memref.load %arg1[%get3A_14, %get3A_15] : memref<1x8xf32, #tpu.memory_space<smem>>
    %get3A_17 = arith.constant 0 : index
    %get3A_18 = arith.constant 0 : index
    %get3A_19 = vector.load %arg5[%get3A_17, %get3A_18] : memref<1x32xf32, #tpu.memory_space<vmem>>, vector<1x32xf32>
    %get3A_20 = arith.constant 0 : index
    %get3A_21 = arith.constant 0 : index
    %get3A_22 = vector.load %arg6[%get3A_20, %get3A_21] : memref<1x32xf32, #tpu.memory_space<vmem>>, vector<1x32xf32>
    %get3A_23 = arith.constant 0 : index
    %get3A_24 = arith.constant 0 : index
    %get3A_25 = vector.load %arg7[%get3A_23, %get3A_24] : memref<1x32xf32, #tpu.memory_space<vmem>>, vector<1x32xf32>
    %get3A_26 = arith.constant 0 : index
    %get3A_27 = arith.constant 0 : index
    %get3A_28 = vector.load %arg8[%get3A_26, %get3A_27] : memref<1x32xf32, #tpu.memory_space<vmem>>, vector<1x32xf32>
    %slice3A = vector.extract_strided_slice %get3A_7 {offsets = [0, 0], sizes = [1024, 1], strides = [1, 1]} : vector<1024x8xf32> to vector<1024x1xf32>
    %mul3A = vector.broadcast %get3A_10 : f32 to vector<1024x1xf32>
    %mul3A_29 = arith.mulf %mul3A, %slice3A : vector<1024x1xf32>
    %mul3A_30 = arith.constant 2.000000e-01 : f32
    %mul3A_31 = vector.broadcast %mul3A_30 : f32 to vector<1024x1xf32>
    %mul3A_32 = arith.mulf %mul3A_31, %mul3A_29 : vector<1024x1xf32>
    %max3A = arith.maximumf %mul3A_29, %mul3A_32 : vector<1024x1xf32>
    %exp3A = math.exp %max3A : vector<1024x1xf32>
    %mul3A_33 = vector.broadcast %get3A_13 : f32 to vector<1024x1xf32>
    %mul3A_34 = arith.mulf %mul3A_33, %slice3A : vector<1024x1xf32>
    %mul3A_35 = arith.constant 2.000000e-01 : f32
    %mul3A_36 = vector.broadcast %mul3A_35 : f32 to vector<1024x1xf32>
    %mul3A_37 = arith.mulf %mul3A_36, %mul3A_34 : vector<1024x1xf32>
    %max3A_38 = arith.maximumf %mul3A_34, %mul3A_37 : vector<1024x1xf32>
    %exp3A_39 = math.exp %max3A_38 : vector<1024x1xf32>
    %slice3A_40 = vector.extract_strided_slice %add3A {offsets = [0, 0], sizes = [1024, 1], strides = [1, 1]} : vector<1024x24xf32> to vector<1024x1xf32>
    %add3A_41 = arith.addf %slice3A_40, %exp3A : vector<1024x1xf32>
    %add3A_42 = arith.constant 1.000000e-16 : f32
    %add3A_43 = vector.broadcast %add3A_42 : f32 to vector<1024x1xf32>
    %add3A_44 = arith.addf %add3A_41, %add3A_43 : vector<1024x1xf32>
    %slice3A_45 = vector.extract_strided_slice %add3A {offsets = [0, 1], sizes = [1024, 1], strides = [1, 1]} : vector<1024x24xf32> to vector<1024x1xf32>
    %add3A_46 = arith.addf %slice3A_45, %exp3A_39 : vector<1024x1xf32>
    %add3A_47 = arith.constant 1.000000e-16 : f32
    %add3A_48 = vector.broadcast %add3A_47 : f32 to vector<1024x1xf32>
    %add3A_49 = arith.addf %add3A_46, %add3A_48 : vector<1024x1xf32>
    %slice3A_50 = vector.extract_strided_slice %add3A {offsets = [0, 2], sizes = [1024, 1], strides = [1, 1]} : vector<1024x24xf32> to vector<1024x1xf32>
    %mul3A_51 = arith.mulf %exp3A, %slice3A : vector<1024x1xf32>
    %add3A_52 = arith.addf %slice3A_50, %mul3A_51 : vector<1024x1xf32>
    %slice3A_53 = vector.extract_strided_slice %add3A {offsets = [0, 3], sizes = [1024, 1], strides = [1, 1]} : vector<1024x24xf32> to vector<1024x1xf32>
    %mul3A_54 = arith.mulf %exp3A_39, %slice3A : vector<1024x1xf32>
    %add3A_55 = arith.addf %slice3A_53, %mul3A_54 : vector<1024x1xf32>
    %div3A = arith.divf %add3A_52, %add3A_44 : vector<1024x1xf32>
    %div3A_56 = arith.divf %add3A_55, %add3A_49 : vector<1024x1xf32>
    %slice3A_57 = vector.extract_strided_slice %get3A_19 {offsets = [0, 0], sizes = [1, 16], strides = [1, 1]} : vector<1x32xf32> to vector<1x16xf32>
    %mul3A_58 = vector.broadcast %div3A : vector<1024x1xf32> to vector<1024x16xf32>
    %mul3A_59 = vector.broadcast %slice3A_57 : vector<1x16xf32> to vector<1024x16xf32>
    %mul3A_60 = arith.mulf %mul3A_58, %mul3A_59 : vector<1024x16xf32>
    %slice3A_61 = vector.extract_strided_slice %get3A_19 {offsets = [0, 16], sizes = [1, 16], strides = [1, 1]} : vector<1x32xf32> to vector<1x16xf32>
    %mul3A_62 = vector.broadcast %div3A_56 : vector<1024x1xf32> to vector<1024x16xf32>
    %mul3A_63 = vector.broadcast %slice3A_61 : vector<1x16xf32> to vector<1024x16xf32>
    %mul3A_64 = arith.mulf %mul3A_62, %mul3A_63 : vector<1024x16xf32>
    %concatenate3A = tpu.concatenate %mul3A_60, %mul3A_64 in 1 : vector<1024x16xf32>, vector<1024x16xf32> -> vector<1024x32xf32>
    %add3A_65 = vector.broadcast %get3A_22 : vector<1x32xf32> to vector<1024x32xf32>
    %add3A_66 = arith.addf %concatenate3A, %add3A_65 : vector<1024x32xf32>
    %reduce_sum3A = arith.constant dense<0.000000e+00> : vector<1024xf32>
    %reduce_sum3A_67 = vector.multi_reduction <add>, %add3A_66, %reduce_sum3A [1] : vector<1024x32xf32> to vector<1024xf32>
    %broadcast_in_dim3A = vector.shape_cast %reduce_sum3A_67 : vector<1024xf32> to vector<1024x1xf32>
    %div3A_68 = arith.constant 3.200000e+01 : f32
    %div3A_69 = vector.broadcast %div3A_68 : f32 to vector<1024x1xf32>
    %div3A_70 = arith.divf %broadcast_in_dim3A, %div3A_69 : vector<1024x1xf32>
    %sub3A = vector.broadcast %div3A_70 : vector<1024x1xf32> to vector<1024x32xf32>
    %sub3A_71 = arith.subf %add3A_66, %sub3A : vector<1024x32xf32>
    %integer_pow3A = arith.mulf %sub3A_71, %sub3A_71 : vector<1024x32xf32>
    %reduce_sum3A_72 = arith.constant dense<0.000000e+00> : vector<1024xf32>
    %reduce_sum3A_73 = vector.multi_reduction <add>, %integer_pow3A, %reduce_sum3A_72 [1] : vector<1024x32xf32> to vector<1024xf32>
    %broadcast_in_dim3A_74 = vector.shape_cast %reduce_sum3A_73 : vector<1024xf32> to vector<1024x1xf32>
    %div3A_75 = arith.constant 3.200000e+01 : f32
    %div3A_76 = vector.broadcast %div3A_75 : f32 to vector<1024x1xf32>
    %div3A_77 = arith.divf %broadcast_in_dim3A_74, %div3A_76 : vector<1024x1xf32>
    %sub3A_78 = vector.broadcast %div3A_70 : vector<1024x1xf32> to vector<1024x32xf32>
    %sub3A_79 = arith.subf %add3A_66, %sub3A_78 : vector<1024x32xf32>
    %add3A_80 = arith.constant 9.99999974E-6 : f32
    %add3A_81 = vector.broadcast %add3A_80 : f32 to vector<1024x1xf32>
    %add3A_82 = arith.addf %div3A_77, %add3A_81 : vector<1024x1xf32>
    %rsqrt3A = math.rsqrt %add3A_82 : vector<1024x1xf32>
    %mul3A_83 = vector.broadcast %rsqrt3A : vector<1024x1xf32> to vector<1024x32xf32>
    %mul3A_84 = arith.mulf %sub3A_79, %mul3A_83 : vector<1024x32xf32>
    %mul3A_85 = vector.broadcast %get3A_25 : vector<1x32xf32> to vector<1024x32xf32>
    %mul3A_86 = arith.mulf %mul3A_84, %mul3A_85 : vector<1024x32xf32>
    %add3A_87 = vector.broadcast %get3A_28 : vector<1x32xf32> to vector<1024x32xf32>
    %add3A_88 = arith.addf %mul3A_86, %add3A_87 : vector<1024x32xf32>
    %gt3A = arith.constant 0.000000e+00 : f32
    %gt3A_89 = vector.broadcast %gt3A : f32 to vector<1024x32xf32>
    %gt3A_90 = arith.cmpf ogt, %add3A_88, %gt3A_89 : vector<1024x32xf32>
    %min3A = arith.constant 0.000000e+00 : f32
    %min3A_91 = vector.broadcast %min3A : f32 to vector<1024x32xf32>
    %min3A_92 = arith.minimumf %add3A_88, %min3A_91 : vector<1024x32xf32>
    %exp3A_93 = math.exp %min3A_92 : vector<1024x32xf32>
    %sub3A_94 = arith.constant 1.000000e+00 : f32
    %sub3A_95 = vector.broadcast %sub3A_94 : f32 to vector<1024x32xf32>
    %sub3A_96 = arith.subf %exp3A_93, %sub3A_95 : vector<1024x32xf32>
    %select_n3A = arith.select %gt3A_90, %add3A_88, %sub3A_96 : vector<1024x32xi1>, vector<1024x32xf32>
    %slice3A_97 = vector.extract_strided_slice %get3A_7 {offsets = [0, 1], sizes = [1024, 1], strides = [1, 1]} : vector<1024x8xf32> to vector<1024x1xf32>
    %mul3A_98 = vector.broadcast %get3A_10 : f32 to vector<1024x1xf32>
    %mul3A_99 = arith.mulf %mul3A_98, %slice3A_97 : vector<1024x1xf32>
    %mul3A_100 = arith.constant 2.000000e-01 : f32
    %mul3A_101 = vector.broadcast %mul3A_100 : f32 to vector<1024x1xf32>
    %mul3A_102 = arith.mulf %mul3A_101, %mul3A_99 : vector<1024x1xf32>
    %max3A_103 = arith.maximumf %mul3A_99, %mul3A_102 : vector<1024x1xf32>
    %exp3A_104 = math.exp %max3A_103 : vector<1024x1xf32>
    %mul3A_105 = vector.broadcast %get3A_13 : f32 to vector<1024x1xf32>
    %mul3A_106 = arith.mulf %mul3A_105, %slice3A_97 : vector<1024x1xf32>
    %mul3A_107 = arith.constant 2.000000e-01 : f32
    %mul3A_108 = vector.broadcast %mul3A_107 : f32 to vector<1024x1xf32>
    %mul3A_109 = arith.mulf %mul3A_108, %mul3A_106 : vector<1024x1xf32>
    %max3A_110 = arith.maximumf %mul3A_106, %mul3A_109 : vector<1024x1xf32>
    %exp3A_111 = math.exp %max3A_110 : vector<1024x1xf32>
    %slice3A_112 = vector.extract_strided_slice %add3A {offsets = [0, 4], sizes = [1024, 1], strides = [1, 1]} : vector<1024x24xf32> to vector<1024x1xf32>
    %add3A_113 = arith.addf %slice3A_112, %exp3A_104 : vector<1024x1xf32>
    %add3A_114 = arith.constant 1.000000e-16 : f32
    %add3A_115 = vector.broadcast %add3A_114 : f32 to vector<1024x1xf32>
    %add3A_116 = arith.addf %add3A_113, %add3A_115 : vector<1024x1xf32>
    %slice3A_117 = vector.extract_strided_slice %add3A {offsets = [0, 5], sizes = [1024, 1], strides = [1, 1]} : vector<1024x24xf32> to vector<1024x1xf32>
    %add3A_118 = arith.addf %slice3A_117, %exp3A_111 : vector<1024x1xf32>
    %add3A_119 = arith.constant 1.000000e-16 : f32
    %add3A_120 = vector.broadcast %add3A_119 : f32 to vector<1024x1xf32>
    %add3A_121 = arith.addf %add3A_118, %add3A_120 : vector<1024x1xf32>
    %slice3A_122 = vector.extract_strided_slice %add3A {offsets = [0, 6], sizes = [1024, 1], strides = [1, 1]} : vector<1024x24xf32> to vector<1024x1xf32>
    %mul3A_123 = arith.mulf %exp3A_104, %slice3A_97 : vector<1024x1xf32>
    %add3A_124 = arith.addf %slice3A_122, %mul3A_123 : vector<1024x1xf32>
    %slice3A_125 = vector.extract_strided_slice %add3A {offsets = [0, 7], sizes = [1024, 1], strides = [1, 1]} : vector<1024x24xf32> to vector<1024x1xf32>
    %mul3A_126 = arith.mulf %exp3A_111, %slice3A_97 : vector<1024x1xf32>
    %add3A_127 = arith.addf %slice3A_125, %mul3A_126 : vector<1024x1xf32>
    %div3A_128 = arith.divf %add3A_124, %add3A_116 : vector<1024x1xf32>
    %div3A_129 = arith.divf %add3A_127, %add3A_121 : vector<1024x1xf32>
    %slice3A_130 = vector.extract_strided_slice %get3A_19 {offsets = [0, 0], sizes = [1, 16], strides = [1, 1]} : vector<1x32xf32> to vector<1x16xf32>
    %mul3A_131 = vector.broadcast %div3A_128 : vector<1024x1xf32> to vector<1024x16xf32>
    %mul3A_132 = vector.broadcast %slice3A_130 : vector<1x16xf32> to vector<1024x16xf32>
    %mul3A_133 = arith.mulf %mul3A_131, %mul3A_132 : vector<1024x16xf32>
    %slice3A_134 = vector.extract_strided_slice %get3A_19 {offsets = [0, 16], sizes = [1, 16], strides = [1, 1]} : vector<1x32xf32> to vector<1x16xf32>
    %mul3A_135 = vector.broadcast %div3A_129 : vector<1024x1xf32> to vector<1024x16xf32>
    %mul3A_136 = vector.broadcast %slice3A_134 : vector<1x16xf32> to vector<1024x16xf32>
    %mul3A_137 = arith.mulf %mul3A_135, %mul3A_136 : vector<1024x16xf32>
    %concatenate3A_138 = tpu.concatenate %mul3A_133, %mul3A_137 in 1 : vector<1024x16xf32>, vector<1024x16xf32> -> vector<1024x32xf32>
    %add3A_139 = vector.broadcast %get3A_22 : vector<1x32xf32> to vector<1024x32xf32>
    %add3A_140 = arith.addf %concatenate3A_138, %add3A_139 : vector<1024x32xf32>
    %reduce_sum3A_141 = arith.constant dense<0.000000e+00> : vector<1024xf32>
    %reduce_sum3A_142 = vector.multi_reduction <add>, %add3A_140, %reduce_sum3A_141 [1] : vector<1024x32xf32> to vector<1024xf32>
    %broadcast_in_dim3A_143 = vector.shape_cast %reduce_sum3A_142 : vector<1024xf32> to vector<1024x1xf32>
    %div3A_144 = arith.constant 3.200000e+01 : f32
    %div3A_145 = vector.broadcast %div3A_144 : f32 to vector<1024x1xf32>
    %div3A_146 = arith.divf %broadcast_in_dim3A_143, %div3A_145 : vector<1024x1xf32>
    %sub3A_147 = vector.broadcast %div3A_146 : vector<1024x1xf32> to vector<1024x32xf32>
    %sub3A_148 = arith.subf %add3A_140, %sub3A_147 : vector<1024x32xf32>
    %integer_pow3A_149 = arith.mulf %sub3A_148, %sub3A_148 : vector<1024x32xf32>
    %reduce_sum3A_150 = arith.constant dense<0.000000e+00> : vector<1024xf32>
    %reduce_sum3A_151 = vector.multi_reduction <add>, %integer_pow3A_149, %reduce_sum3A_150 [1] : vector<1024x32xf32> to vector<1024xf32>
    %broadcast_in_dim3A_152 = vector.shape_cast %reduce_sum3A_151 : vector<1024xf32> to vector<1024x1xf32>
    %div3A_153 = arith.constant 3.200000e+01 : f32
    %div3A_154 = vector.broadcast %div3A_153 : f32 to vector<1024x1xf32>
    %div3A_155 = arith.divf %broadcast_in_dim3A_152, %div3A_154 : vector<1024x1xf32>
    %sub3A_156 = vector.broadcast %div3A_146 : vector<1024x1xf32> to vector<1024x32xf32>
    %sub3A_157 = arith.subf %add3A_140, %sub3A_156 : vector<1024x32xf32>
    %add3A_158 = arith.constant 9.99999974E-6 : f32
    %add3A_159 = vector.broadcast %add3A_158 : f32 to vector<1024x1xf32>
    %add3A_160 = arith.addf %div3A_155, %add3A_159 : vector<1024x1xf32>
    %rsqrt3A_161 = math.rsqrt %add3A_160 : vector<1024x1xf32>
    %mul3A_162 = vector.broadcast %rsqrt3A_161 : vector<1024x1xf32> to vector<1024x32xf32>
    %mul3A_163 = arith.mulf %sub3A_157, %mul3A_162 : vector<1024x32xf32>
    %mul3A_164 = vector.broadcast %get3A_25 : vector<1x32xf32> to vector<1024x32xf32>
    %mul3A_165 = arith.mulf %mul3A_163, %mul3A_164 : vector<1024x32xf32>
    %add3A_166 = vector.broadcast %get3A_28 : vector<1x32xf32> to vector<1024x32xf32>
    %add3A_167 = arith.addf %mul3A_165, %add3A_166 : vector<1024x32xf32>
    %gt3A_168 = arith.constant 0.000000e+00 : f32
    %gt3A_169 = vector.broadcast %gt3A_168 : f32 to vector<1024x32xf32>
    %gt3A_170 = arith.cmpf ogt, %add3A_167, %gt3A_169 : vector<1024x32xf32>
    %min3A_171 = arith.constant 0.000000e+00 : f32
    %min3A_172 = vector.broadcast %min3A_171 : f32 to vector<1024x32xf32>
    %min3A_173 = arith.minimumf %add3A_167, %min3A_172 : vector<1024x32xf32>
    %exp3A_174 = math.exp %min3A_173 : vector<1024x32xf32>
    %sub3A_175 = arith.constant 1.000000e+00 : f32
    %sub3A_176 = vector.broadcast %sub3A_175 : f32 to vector<1024x32xf32>
    %sub3A_177 = arith.subf %exp3A_174, %sub3A_176 : vector<1024x32xf32>
    %select_n3A_178 = arith.select %gt3A_170, %add3A_167, %sub3A_177 : vector<1024x32xi1>, vector<1024x32xf32>
    %slice3A_179 = vector.extract_strided_slice %get3A_7 {offsets = [0, 2], sizes = [1024, 1], strides = [1, 1]} : vector<1024x8xf32> to vector<1024x1xf32>
    %mul3A_180 = vector.broadcast %get3A_10 : f32 to vector<1024x1xf32>
    %mul3A_181 = arith.mulf %mul3A_180, %slice3A_179 : vector<1024x1xf32>
    %mul3A_182 = arith.constant 2.000000e-01 : f32
    %mul3A_183 = vector.broadcast %mul3A_182 : f32 to vector<1024x1xf32>
    %mul3A_184 = arith.mulf %mul3A_183, %mul3A_181 : vector<1024x1xf32>
    %max3A_185 = arith.maximumf %mul3A_181, %mul3A_184 : vector<1024x1xf32>
    %exp3A_186 = math.exp %max3A_185 : vector<1024x1xf32>
    %mul3A_187 = vector.broadcast %get3A_13 : f32 to vector<1024x1xf32>
    %mul3A_188 = arith.mulf %mul3A_187, %slice3A_179 : vector<1024x1xf32>
    %mul3A_189 = arith.constant 2.000000e-01 : f32
    %mul3A_190 = vector.broadcast %mul3A_189 : f32 to vector<1024x1xf32>
    %mul3A_191 = arith.mulf %mul3A_190, %mul3A_188 : vector<1024x1xf32>
    %max3A_192 = arith.maximumf %mul3A_188, %mul3A_191 : vector<1024x1xf32>
    %exp3A_193 = math.exp %max3A_192 : vector<1024x1xf32>
    %slice3A_194 = vector.extract_strided_slice %add3A {offsets = [0, 8], sizes = [1024, 1], strides = [1, 1]} : vector<1024x24xf32> to vector<1024x1xf32>
    %add3A_195 = arith.addf %slice3A_194, %exp3A_186 : vector<1024x1xf32>
    %add3A_196 = arith.constant 1.000000e-16 : f32
    %add3A_197 = vector.broadcast %add3A_196 : f32 to vector<1024x1xf32>
    %add3A_198 = arith.addf %add3A_195, %add3A_197 : vector<1024x1xf32>
    %slice3A_199 = vector.extract_strided_slice %add3A {offsets = [0, 9], sizes = [1024, 1], strides = [1, 1]} : vector<1024x24xf32> to vector<1024x1xf32>
    %add3A_200 = arith.addf %slice3A_199, %exp3A_193 : vector<1024x1xf32>
    %add3A_201 = arith.constant 1.000000e-16 : f32
    %add3A_202 = vector.broadcast %add3A_201 : f32 to vector<1024x1xf32>
    %add3A_203 = arith.addf %add3A_200, %add3A_202 : vector<1024x1xf32>
    %slice3A_204 = vector.extract_strided_slice %add3A {offsets = [0, 10], sizes = [1024, 1], strides = [1, 1]} : vector<1024x24xf32> to vector<1024x1xf32>
    %mul3A_205 = arith.mulf %exp3A_186, %slice3A_179 : vector<1024x1xf32>
    %add3A_206 = arith.addf %slice3A_204, %mul3A_205 : vector<1024x1xf32>
    %slice3A_207 = vector.extract_strided_slice %add3A {offsets = [0, 11], sizes = [1024, 1], strides = [1, 1]} : vector<1024x24xf32> to vector<1024x1xf32>
    %mul3A_208 = arith.mulf %exp3A_193, %slice3A_179 : vector<1024x1xf32>
    %add3A_209 = arith.addf %slice3A_207, %mul3A_208 : vector<1024x1xf32>
    %div3A_210 = arith.divf %add3A_206, %add3A_198 : vector<1024x1xf32>
    %div3A_211 = arith.divf %add3A_209, %add3A_203 : vector<1024x1xf32>
    %slice3A_212 = vector.extract_strided_slice %get3A_19 {offsets = [0, 0], sizes = [1, 16], strides = [1, 1]} : vector<1x32xf32> to vector<1x16xf32>
    %mul3A_213 = vector.broadcast %div3A_210 : vector<1024x1xf32> to vector<1024x16xf32>
    %mul3A_214 = vector.broadcast %slice3A_212 : vector<1x16xf32> to vector<1024x16xf32>
    %mul3A_215 = arith.mulf %mul3A_213, %mul3A_214 : vector<1024x16xf32>
    %slice3A_216 = vector.extract_strided_slice %get3A_19 {offsets = [0, 16], sizes = [1, 16], strides = [1, 1]} : vector<1x32xf32> to vector<1x16xf32>
    %mul3A_217 = vector.broadcast %div3A_211 : vector<1024x1xf32> to vector<1024x16xf32>
    %mul3A_218 = vector.broadcast %slice3A_216 : vector<1x16xf32> to vector<1024x16xf32>
    %mul3A_219 = arith.mulf %mul3A_217, %mul3A_218 : vector<1024x16xf32>
    %concatenate3A_220 = tpu.concatenate %mul3A_215, %mul3A_219 in 1 : vector<1024x16xf32>, vector<1024x16xf32> -> vector<1024x32xf32>
    %add3A_221 = vector.broadcast %get3A_22 : vector<1x32xf32> to vector<1024x32xf32>
    %add3A_222 = arith.addf %concatenate3A_220, %add3A_221 : vector<1024x32xf32>
    %reduce_sum3A_223 = arith.constant dense<0.000000e+00> : vector<1024xf32>
    %reduce_sum3A_224 = vector.multi_reduction <add>, %add3A_222, %reduce_sum3A_223 [1] : vector<1024x32xf32> to vector<1024xf32>
    %broadcast_in_dim3A_225 = vector.shape_cast %reduce_sum3A_224 : vector<1024xf32> to vector<1024x1xf32>
    %div3A_226 = arith.constant 3.200000e+01 : f32
    %div3A_227 = vector.broadcast %div3A_226 : f32 to vector<1024x1xf32>
    %div3A_228 = arith.divf %broadcast_in_dim3A_225, %div3A_227 : vector<1024x1xf32>
    %sub3A_229 = vector.broadcast %div3A_228 : vector<1024x1xf32> to vector<1024x32xf32>
    %sub3A_230 = arith.subf %add3A_222, %sub3A_229 : vector<1024x32xf32>
    %integer_pow3A_231 = arith.mulf %sub3A_230, %sub3A_230 : vector<1024x32xf32>
    %reduce_sum3A_232 = arith.constant dense<0.000000e+00> : vector<1024xf32>
    %reduce_sum3A_233 = vector.multi_reduction <add>, %integer_pow3A_231, %reduce_sum3A_232 [1] : vector<1024x32xf32> to vector<1024xf32>
    %broadcast_in_dim3A_234 = vector.shape_cast %reduce_sum3A_233 : vector<1024xf32> to vector<1024x1xf32>
    %div3A_235 = arith.constant 3.200000e+01 : f32
    %div3A_236 = vector.broadcast %div3A_235 : f32 to vector<1024x1xf32>
    %div3A_237 = arith.divf %broadcast_in_dim3A_234, %div3A_236 : vector<1024x1xf32>
    %sub3A_238 = vector.broadcast %div3A_228 : vector<1024x1xf32> to vector<1024x32xf32>
    %sub3A_239 = arith.subf %add3A_222, %sub3A_238 : vector<1024x32xf32>
    %add3A_240 = arith.constant 9.99999974E-6 : f32
    %add3A_241 = vector.broadcast %add3A_240 : f32 to vector<1024x1xf32>
    %add3A_242 = arith.addf %div3A_237, %add3A_241 : vector<1024x1xf32>
    %rsqrt3A_243 = math.rsqrt %add3A_242 : vector<1024x1xf32>
    %mul3A_244 = vector.broadcast %rsqrt3A_243 : vector<1024x1xf32> to vector<1024x32xf32>
    %mul3A_245 = arith.mulf %sub3A_239, %mul3A_244 : vector<1024x32xf32>
    %mul3A_246 = vector.broadcast %get3A_25 : vector<1x32xf32> to vector<1024x32xf32>
    %mul3A_247 = arith.mulf %mul3A_245, %mul3A_246 : vector<1024x32xf32>
    %add3A_248 = vector.broadcast %get3A_28 : vector<1x32xf32> to vector<1024x32xf32>
    %add3A_249 = arith.addf %mul3A_247, %add3A_248 : vector<1024x32xf32>
    %gt3A_250 = arith.constant 0.000000e+00 : f32
    %gt3A_251 = vector.broadcast %gt3A_250 : f32 to vector<1024x32xf32>
    %gt3A_252 = arith.cmpf ogt, %add3A_249, %gt3A_251 : vector<1024x32xf32>
    %min3A_253 = arith.constant 0.000000e+00 : f32
    %min3A_254 = vector.broadcast %min3A_253 : f32 to vector<1024x32xf32>
    %min3A_255 = arith.minimumf %add3A_249, %min3A_254 : vector<1024x32xf32>
    %exp3A_256 = math.exp %min3A_255 : vector<1024x32xf32>
    %sub3A_257 = arith.constant 1.000000e+00 : f32
    %sub3A_258 = vector.broadcast %sub3A_257 : f32 to vector<1024x32xf32>
    %sub3A_259 = arith.subf %exp3A_256, %sub3A_258 : vector<1024x32xf32>
    %select_n3A_260 = arith.select %gt3A_252, %add3A_249, %sub3A_259 : vector<1024x32xi1>, vector<1024x32xf32>
    %slice3A_261 = vector.extract_strided_slice %get3A_7 {offsets = [0, 3], sizes = [1024, 1], strides = [1, 1]} : vector<1024x8xf32> to vector<1024x1xf32>
    %mul3A_262 = vector.broadcast %get3A_10 : f32 to vector<1024x1xf32>
    %mul3A_263 = arith.mulf %mul3A_262, %slice3A_261 : vector<1024x1xf32>
    %mul3A_264 = arith.constant 2.000000e-01 : f32
    %mul3A_265 = vector.broadcast %mul3A_264 : f32 to vector<1024x1xf32>
    %mul3A_266 = arith.mulf %mul3A_265, %mul3A_263 : vector<1024x1xf32>
    %max3A_267 = arith.maximumf %mul3A_263, %mul3A_266 : vector<1024x1xf32>
    %exp3A_268 = math.exp %max3A_267 : vector<1024x1xf32>
    %mul3A_269 = vector.broadcast %get3A_13 : f32 to vector<1024x1xf32>
    %mul3A_270 = arith.mulf %mul3A_269, %slice3A_261 : vector<1024x1xf32>
    %mul3A_271 = arith.constant 2.000000e-01 : f32
    %mul3A_272 = vector.broadcast %mul3A_271 : f32 to vector<1024x1xf32>
    %mul3A_273 = arith.mulf %mul3A_272, %mul3A_270 : vector<1024x1xf32>
    %max3A_274 = arith.maximumf %mul3A_270, %mul3A_273 : vector<1024x1xf32>
    %exp3A_275 = math.exp %max3A_274 : vector<1024x1xf32>
    %slice3A_276 = vector.extract_strided_slice %add3A {offsets = [0, 12], sizes = [1024, 1], strides = [1, 1]} : vector<1024x24xf32> to vector<1024x1xf32>
    %add3A_277 = arith.addf %slice3A_276, %exp3A_268 : vector<1024x1xf32>
    %add3A_278 = arith.constant 1.000000e-16 : f32
    %add3A_279 = vector.broadcast %add3A_278 : f32 to vector<1024x1xf32>
    %add3A_280 = arith.addf %add3A_277, %add3A_279 : vector<1024x1xf32>
    %slice3A_281 = vector.extract_strided_slice %add3A {offsets = [0, 13], sizes = [1024, 1], strides = [1, 1]} : vector<1024x24xf32> to vector<1024x1xf32>
    %add3A_282 = arith.addf %slice3A_281, %exp3A_275 : vector<1024x1xf32>
    %add3A_283 = arith.constant 1.000000e-16 : f32
    %add3A_284 = vector.broadcast %add3A_283 : f32 to vector<1024x1xf32>
    %add3A_285 = arith.addf %add3A_282, %add3A_284 : vector<1024x1xf32>
    %slice3A_286 = vector.extract_strided_slice %add3A {offsets = [0, 14], sizes = [1024, 1], strides = [1, 1]} : vector<1024x24xf32> to vector<1024x1xf32>
    %mul3A_287 = arith.mulf %exp3A_268, %slice3A_261 : vector<1024x1xf32>
    %add3A_288 = arith.addf %slice3A_286, %mul3A_287 : vector<1024x1xf32>
    %slice3A_289 = vector.extract_strided_slice %add3A {offsets = [0, 15], sizes = [1024, 1], strides = [1, 1]} : vector<1024x24xf32> to vector<1024x1xf32>
    %mul3A_290 = arith.mulf %exp3A_275, %slice3A_261 : vector<1024x1xf32>
    %add3A_291 = arith.addf %slice3A_289, %mul3A_290 : vector<1024x1xf32>
    %div3A_292 = arith.divf %add3A_288, %add3A_280 : vector<1024x1xf32>
    %div3A_293 = arith.divf %add3A_291, %add3A_285 : vector<1024x1xf32>
    %slice3A_294 = vector.extract_strided_slice %get3A_19 {offsets = [0, 0], sizes = [1, 16], strides = [1, 1]} : vector<1x32xf32> to vector<1x16xf32>
    %mul3A_295 = vector.broadcast %div3A_292 : vector<1024x1xf32> to vector<1024x16xf32>
    %mul3A_296 = vector.broadcast %slice3A_294 : vector<1x16xf32> to vector<1024x16xf32>
    %mul3A_297 = arith.mulf %mul3A_295, %mul3A_296 : vector<1024x16xf32>
    %slice3A_298 = vector.extract_strided_slice %get3A_19 {offsets = [0, 16], sizes = [1, 16], strides = [1, 1]} : vector<1x32xf32> to vector<1x16xf32>
    %mul3A_299 = vector.broadcast %div3A_293 : vector<1024x1xf32> to vector<1024x16xf32>
    %mul3A_300 = vector.broadcast %slice3A_298 : vector<1x16xf32> to vector<1024x16xf32>
    %mul3A_301 = arith.mulf %mul3A_299, %mul3A_300 : vector<1024x16xf32>
    %concatenate3A_302 = tpu.concatenate %mul3A_297, %mul3A_301 in 1 : vector<1024x16xf32>, vector<1024x16xf32> -> vector<1024x32xf32>
    %add3A_303 = vector.broadcast %get3A_22 : vector<1x32xf32> to vector<1024x32xf32>
    %add3A_304 = arith.addf %concatenate3A_302, %add3A_303 : vector<1024x32xf32>
    %reduce_sum3A_305 = arith.constant dense<0.000000e+00> : vector<1024xf32>
    %reduce_sum3A_306 = vector.multi_reduction <add>, %add3A_304, %reduce_sum3A_305 [1] : vector<1024x32xf32> to vector<1024xf32>
    %broadcast_in_dim3A_307 = vector.shape_cast %reduce_sum3A_306 : vector<1024xf32> to vector<1024x1xf32>
    %div3A_308 = arith.constant 3.200000e+01 : f32
    %div3A_309 = vector.broadcast %div3A_308 : f32 to vector<1024x1xf32>
    %div3A_310 = arith.divf %broadcast_in_dim3A_307, %div3A_309 : vector<1024x1xf32>
    %sub3A_311 = vector.broadcast %div3A_310 : vector<1024x1xf32> to vector<1024x32xf32>
    %sub3A_312 = arith.subf %add3A_304, %sub3A_311 : vector<1024x32xf32>
    %integer_pow3A_313 = arith.mulf %sub3A_312, %sub3A_312 : vector<1024x32xf32>
    %reduce_sum3A_314 = arith.constant dense<0.000000e+00> : vector<1024xf32>
    %reduce_sum3A_315 = vector.multi_reduction <add>, %integer_pow3A_313, %reduce_sum3A_314 [1] : vector<1024x32xf32> to vector<1024xf32>
    %broadcast_in_dim3A_316 = vector.shape_cast %reduce_sum3A_315 : vector<1024xf32> to vector<1024x1xf32>
    %div3A_317 = arith.constant 3.200000e+01 : f32
    %div3A_318 = vector.broadcast %div3A_317 : f32 to vector<1024x1xf32>
    %div3A_319 = arith.divf %broadcast_in_dim3A_316, %div3A_318 : vector<1024x1xf32>
    %sub3A_320 = vector.broadcast %div3A_310 : vector<1024x1xf32> to vector<1024x32xf32>
    %sub3A_321 = arith.subf %add3A_304, %sub3A_320 : vector<1024x32xf32>
    %add3A_322 = arith.constant 9.99999974E-6 : f32
    %add3A_323 = vector.broadcast %add3A_322 : f32 to vector<1024x1xf32>
    %add3A_324 = arith.addf %div3A_319, %add3A_323 : vector<1024x1xf32>
    %rsqrt3A_325 = math.rsqrt %add3A_324 : vector<1024x1xf32>
    %mul3A_326 = vector.broadcast %rsqrt3A_325 : vector<1024x1xf32> to vector<1024x32xf32>
    %mul3A_327 = arith.mulf %sub3A_321, %mul3A_326 : vector<1024x32xf32>
    %mul3A_328 = vector.broadcast %get3A_25 : vector<1x32xf32> to vector<1024x32xf32>
    %mul3A_329 = arith.mulf %mul3A_327, %mul3A_328 : vector<1024x32xf32>
    %add3A_330 = vector.broadcast %get3A_28 : vector<1x32xf32> to vector<1024x32xf32>
    %add3A_331 = arith.addf %mul3A_329, %add3A_330 : vector<1024x32xf32>
    %gt3A_332 = arith.constant 0.000000e+00 : f32
    %gt3A_333 = vector.broadcast %gt3A_332 : f32 to vector<1024x32xf32>
    %gt3A_334 = arith.cmpf ogt, %add3A_331, %gt3A_333 : vector<1024x32xf32>
    %min3A_335 = arith.constant 0.000000e+00 : f32
    %min3A_336 = vector.broadcast %min3A_335 : f32 to vector<1024x32xf32>
    %min3A_337 = arith.minimumf %add3A_331, %min3A_336 : vector<1024x32xf32>
    %exp3A_338 = math.exp %min3A_337 : vector<1024x32xf32>
    %sub3A_339 = arith.constant 1.000000e+00 : f32
    %sub3A_340 = vector.broadcast %sub3A_339 : f32 to vector<1024x32xf32>
    %sub3A_341 = arith.subf %exp3A_338, %sub3A_340 : vector<1024x32xf32>
    %select_n3A_342 = arith.select %gt3A_334, %add3A_331, %sub3A_341 : vector<1024x32xi1>, vector<1024x32xf32>
    %slice3A_343 = vector.extract_strided_slice %get3A_7 {offsets = [0, 4], sizes = [1024, 1], strides = [1, 1]} : vector<1024x8xf32> to vector<1024x1xf32>
    %mul3A_344 = vector.broadcast %get3A_10 : f32 to vector<1024x1xf32>
    %mul3A_345 = arith.mulf %mul3A_344, %slice3A_343 : vector<1024x1xf32>
    %mul3A_346 = arith.constant 2.000000e-01 : f32
    %mul3A_347 = vector.broadcast %mul3A_346 : f32 to vector<1024x1xf32>
    %mul3A_348 = arith.mulf %mul3A_347, %mul3A_345 : vector<1024x1xf32>
    %max3A_349 = arith.maximumf %mul3A_345, %mul3A_348 : vector<1024x1xf32>
    %exp3A_350 = math.exp %max3A_349 : vector<1024x1xf32>
    %mul3A_351 = vector.broadcast %get3A_13 : f32 to vector<1024x1xf32>
    %mul3A_352 = arith.mulf %mul3A_351, %slice3A_343 : vector<1024x1xf32>
    %mul3A_353 = arith.constant 2.000000e-01 : f32
    %mul3A_354 = vector.broadcast %mul3A_353 : f32 to vector<1024x1xf32>
    %mul3A_355 = arith.mulf %mul3A_354, %mul3A_352 : vector<1024x1xf32>
    %max3A_356 = arith.maximumf %mul3A_352, %mul3A_355 : vector<1024x1xf32>
    %exp3A_357 = math.exp %max3A_356 : vector<1024x1xf32>
    %slice3A_358 = vector.extract_strided_slice %add3A {offsets = [0, 16], sizes = [1024, 1], strides = [1, 1]} : vector<1024x24xf32> to vector<1024x1xf32>
    %add3A_359 = arith.addf %slice3A_358, %exp3A_350 : vector<1024x1xf32>
    %add3A_360 = arith.constant 1.000000e-16 : f32
    %add3A_361 = vector.broadcast %add3A_360 : f32 to vector<1024x1xf32>
    %add3A_362 = arith.addf %add3A_359, %add3A_361 : vector<1024x1xf32>
    %slice3A_363 = vector.extract_strided_slice %add3A {offsets = [0, 17], sizes = [1024, 1], strides = [1, 1]} : vector<1024x24xf32> to vector<1024x1xf32>
    %add3A_364 = arith.addf %slice3A_363, %exp3A_357 : vector<1024x1xf32>
    %add3A_365 = arith.constant 1.000000e-16 : f32
    %add3A_366 = vector.broadcast %add3A_365 : f32 to vector<1024x1xf32>
    %add3A_367 = arith.addf %add3A_364, %add3A_366 : vector<1024x1xf32>
    %slice3A_368 = vector.extract_strided_slice %add3A {offsets = [0, 18], sizes = [1024, 1], strides = [1, 1]} : vector<1024x24xf32> to vector<1024x1xf32>
    %mul3A_369 = arith.mulf %exp3A_350, %slice3A_343 : vector<1024x1xf32>
    %add3A_370 = arith.addf %slice3A_368, %mul3A_369 : vector<1024x1xf32>
    %slice3A_371 = vector.extract_strided_slice %add3A {offsets = [0, 19], sizes = [1024, 1], strides = [1, 1]} : vector<1024x24xf32> to vector<1024x1xf32>
    %mul3A_372 = arith.mulf %exp3A_357, %slice3A_343 : vector<1024x1xf32>
    %add3A_373 = arith.addf %slice3A_371, %mul3A_372 : vector<1024x1xf32>
    %div3A_374 = arith.divf %add3A_370, %add3A_362 : vector<1024x1xf32>
    %div3A_375 = arith.divf %add3A_373, %add3A_367 : vector<1024x1xf32>
    %slice3A_376 = vector.extract_strided_slice %get3A_19 {offsets = [0, 0], sizes = [1, 16], strides = [1, 1]} : vector<1x32xf32> to vector<1x16xf32>
    %mul3A_377 = vector.broadcast %div3A_374 : vector<1024x1xf32> to vector<1024x16xf32>
    %mul3A_378 = vector.broadcast %slice3A_376 : vector<1x16xf32> to vector<1024x16xf32>
    %mul3A_379 = arith.mulf %mul3A_377, %mul3A_378 : vector<1024x16xf32>
    %slice3A_380 = vector.extract_strided_slice %get3A_19 {offsets = [0, 16], sizes = [1, 16], strides = [1, 1]} : vector<1x32xf32> to vector<1x16xf32>
    %mul3A_381 = vector.broadcast %div3A_375 : vector<1024x1xf32> to vector<1024x16xf32>
    %mul3A_382 = vector.broadcast %slice3A_380 : vector<1x16xf32> to vector<1024x16xf32>
    %mul3A_383 = arith.mulf %mul3A_381, %mul3A_382 : vector<1024x16xf32>
    %concatenate3A_384 = tpu.concatenate %mul3A_379, %mul3A_383 in 1 : vector<1024x16xf32>, vector<1024x16xf32> -> vector<1024x32xf32>
    %add3A_385 = vector.broadcast %get3A_22 : vector<1x32xf32> to vector<1024x32xf32>
    %add3A_386 = arith.addf %concatenate3A_384, %add3A_385 : vector<1024x32xf32>
    %reduce_sum3A_387 = arith.constant dense<0.000000e+00> : vector<1024xf32>
    %reduce_sum3A_388 = vector.multi_reduction <add>, %add3A_386, %reduce_sum3A_387 [1] : vector<1024x32xf32> to vector<1024xf32>
    %broadcast_in_dim3A_389 = vector.shape_cast %reduce_sum3A_388 : vector<1024xf32> to vector<1024x1xf32>
    %div3A_390 = arith.constant 3.200000e+01 : f32
    %div3A_391 = vector.broadcast %div3A_390 : f32 to vector<1024x1xf32>
    %div3A_392 = arith.divf %broadcast_in_dim3A_389, %div3A_391 : vector<1024x1xf32>
    %sub3A_393 = vector.broadcast %div3A_392 : vector<1024x1xf32> to vector<1024x32xf32>
    %sub3A_394 = arith.subf %add3A_386, %sub3A_393 : vector<1024x32xf32>
    %integer_pow3A_395 = arith.mulf %sub3A_394, %sub3A_394 : vector<1024x32xf32>
    %reduce_sum3A_396 = arith.constant dense<0.000000e+00> : vector<1024xf32>
    %reduce_sum3A_397 = vector.multi_reduction <add>, %integer_pow3A_395, %reduce_sum3A_396 [1] : vector<1024x32xf32> to vector<1024xf32>
    %broadcast_in_dim3A_398 = vector.shape_cast %reduce_sum3A_397 : vector<1024xf32> to vector<1024x1xf32>
    %div3A_399 = arith.constant 3.200000e+01 : f32
    %div3A_400 = vector.broadcast %div3A_399 : f32 to vector<1024x1xf32>
    %div3A_401 = arith.divf %broadcast_in_dim3A_398, %div3A_400 : vector<1024x1xf32>
    %sub3A_402 = vector.broadcast %div3A_392 : vector<1024x1xf32> to vector<1024x32xf32>
    %sub3A_403 = arith.subf %add3A_386, %sub3A_402 : vector<1024x32xf32>
    %add3A_404 = arith.constant 9.99999974E-6 : f32
    %add3A_405 = vector.broadcast %add3A_404 : f32 to vector<1024x1xf32>
    %add3A_406 = arith.addf %div3A_401, %add3A_405 : vector<1024x1xf32>
    %rsqrt3A_407 = math.rsqrt %add3A_406 : vector<1024x1xf32>
    %mul3A_408 = vector.broadcast %rsqrt3A_407 : vector<1024x1xf32> to vector<1024x32xf32>
    %mul3A_409 = arith.mulf %sub3A_403, %mul3A_408 : vector<1024x32xf32>
    %mul3A_410 = vector.broadcast %get3A_25 : vector<1x32xf32> to vector<1024x32xf32>
    %mul3A_411 = arith.mulf %mul3A_409, %mul3A_410 : vector<1024x32xf32>
    %add3A_412 = vector.broadcast %get3A_28 : vector<1x32xf32> to vector<1024x32xf32>
    %add3A_413 = arith.addf %mul3A_411, %add3A_412 : vector<1024x32xf32>
    %gt3A_414 = arith.constant 0.000000e+00 : f32
    %gt3A_415 = vector.broadcast %gt3A_414 : f32 to vector<1024x32xf32>
    %gt3A_416 = arith.cmpf ogt, %add3A_413, %gt3A_415 : vector<1024x32xf32>
    %min3A_417 = arith.constant 0.000000e+00 : f32
    %min3A_418 = vector.broadcast %min3A_417 : f32 to vector<1024x32xf32>
    %min3A_419 = arith.minimumf %add3A_413, %min3A_418 : vector<1024x32xf32>
    %exp3A_420 = math.exp %min3A_419 : vector<1024x32xf32>
    %sub3A_421 = arith.constant 1.000000e+00 : f32
    %sub3A_422 = vector.broadcast %sub3A_421 : f32 to vector<1024x32xf32>
    %sub3A_423 = arith.subf %exp3A_420, %sub3A_422 : vector<1024x32xf32>
    %select_n3A_424 = arith.select %gt3A_416, %add3A_413, %sub3A_423 : vector<1024x32xi1>, vector<1024x32xf32>
    %slice3A_425 = vector.extract_strided_slice %get3A_7 {offsets = [0, 5], sizes = [1024, 1], strides = [1, 1]} : vector<1024x8xf32> to vector<1024x1xf32>
    %mul3A_426 = vector.broadcast %get3A_10 : f32 to vector<1024x1xf32>
    %mul3A_427 = arith.mulf %mul3A_426, %slice3A_425 : vector<1024x1xf32>
    %mul3A_428 = arith.constant 2.000000e-01 : f32
    %mul3A_429 = vector.broadcast %mul3A_428 : f32 to vector<1024x1xf32>
    %mul3A_430 = arith.mulf %mul3A_429, %mul3A_427 : vector<1024x1xf32>
    %max3A_431 = arith.maximumf %mul3A_427, %mul3A_430 : vector<1024x1xf32>
    %exp3A_432 = math.exp %max3A_431 : vector<1024x1xf32>
    %mul3A_433 = vector.broadcast %get3A_13 : f32 to vector<1024x1xf32>
    %mul3A_434 = arith.mulf %mul3A_433, %slice3A_425 : vector<1024x1xf32>
    %mul3A_435 = arith.constant 2.000000e-01 : f32
    %mul3A_436 = vector.broadcast %mul3A_435 : f32 to vector<1024x1xf32>
    %mul3A_437 = arith.mulf %mul3A_436, %mul3A_434 : vector<1024x1xf32>
    %max3A_438 = arith.maximumf %mul3A_434, %mul3A_437 : vector<1024x1xf32>
    %exp3A_439 = math.exp %max3A_438 : vector<1024x1xf32>
    %slice3A_440 = vector.extract_strided_slice %add3A {offsets = [0, 20], sizes = [1024, 1], strides = [1, 1]} : vector<1024x24xf32> to vector<1024x1xf32>
    %add3A_441 = arith.addf %slice3A_440, %exp3A_432 : vector<1024x1xf32>
    %add3A_442 = arith.constant 1.000000e-16 : f32
    %add3A_443 = vector.broadcast %add3A_442 : f32 to vector<1024x1xf32>
    %add3A_444 = arith.addf %add3A_441, %add3A_443 : vector<1024x1xf32>
    %slice3A_445 = vector.extract_strided_slice %add3A {offsets = [0, 21], sizes = [1024, 1], strides = [1, 1]} : vector<1024x24xf32> to vector<1024x1xf32>
    %add3A_446 = arith.addf %slice3A_445, %exp3A_439 : vector<1024x1xf32>
    %add3A_447 = arith.constant 1.000000e-16 : f32
    %add3A_448 = vector.broadcast %add3A_447 : f32 to vector<1024x1xf32>
    %add3A_449 = arith.addf %add3A_446, %add3A_448 : vector<1024x1xf32>
    %slice3A_450 = vector.extract_strided_slice %add3A {offsets = [0, 22], sizes = [1024, 1], strides = [1, 1]} : vector<1024x24xf32> to vector<1024x1xf32>
    %mul3A_451 = arith.mulf %exp3A_432, %slice3A_425 : vector<1024x1xf32>
    %add3A_452 = arith.addf %slice3A_450, %mul3A_451 : vector<1024x1xf32>
    %slice3A_453 = vector.extract_strided_slice %add3A {offsets = [0, 23], sizes = [1024, 1], strides = [1, 1]} : vector<1024x24xf32> to vector<1024x1xf32>
    %mul3A_454 = arith.mulf %exp3A_439, %slice3A_425 : vector<1024x1xf32>
    %add3A_455 = arith.addf %slice3A_453, %mul3A_454 : vector<1024x1xf32>
    %div3A_456 = arith.divf %add3A_452, %add3A_444 : vector<1024x1xf32>
    %div3A_457 = arith.divf %add3A_455, %add3A_449 : vector<1024x1xf32>
    %slice3A_458 = vector.extract_strided_slice %get3A_19 {offsets = [0, 0], sizes = [1, 16], strides = [1, 1]} : vector<1x32xf32> to vector<1x16xf32>
    %mul3A_459 = vector.broadcast %div3A_456 : vector<1024x1xf32> to vector<1024x16xf32>
    %mul3A_460 = vector.broadcast %slice3A_458 : vector<1x16xf32> to vector<1024x16xf32>
    %mul3A_461 = arith.mulf %mul3A_459, %mul3A_460 : vector<1024x16xf32>
    %slice3A_462 = vector.extract_strided_slice %get3A_19 {offsets = [0, 16], sizes = [1, 16], strides = [1, 1]} : vector<1x32xf32> to vector<1x16xf32>
    %mul3A_463 = vector.broadcast %div3A_457 : vector<1024x1xf32> to vector<1024x16xf32>
    %mul3A_464 = vector.broadcast %slice3A_462 : vector<1x16xf32> to vector<1024x16xf32>
    %mul3A_465 = arith.mulf %mul3A_463, %mul3A_464 : vector<1024x16xf32>
    %concatenate3A_466 = tpu.concatenate %mul3A_461, %mul3A_465 in 1 : vector<1024x16xf32>, vector<1024x16xf32> -> vector<1024x32xf32>
    %add3A_467 = vector.broadcast %get3A_22 : vector<1x32xf32> to vector<1024x32xf32>
    %add3A_468 = arith.addf %concatenate3A_466, %add3A_467 : vector<1024x32xf32>
    %reduce_sum3A_469 = arith.constant dense<0.000000e+00> : vector<1024xf32>
    %reduce_sum3A_470 = vector.multi_reduction <add>, %add3A_468, %reduce_sum3A_469 [1] : vector<1024x32xf32> to vector<1024xf32>
    %broadcast_in_dim3A_471 = vector.shape_cast %reduce_sum3A_470 : vector<1024xf32> to vector<1024x1xf32>
    %div3A_472 = arith.constant 3.200000e+01 : f32
    %div3A_473 = vector.broadcast %div3A_472 : f32 to vector<1024x1xf32>
    %div3A_474 = arith.divf %broadcast_in_dim3A_471, %div3A_473 : vector<1024x1xf32>
    %sub3A_475 = vector.broadcast %div3A_474 : vector<1024x1xf32> to vector<1024x32xf32>
    %sub3A_476 = arith.subf %add3A_468, %sub3A_475 : vector<1024x32xf32>
    %integer_pow3A_477 = arith.mulf %sub3A_476, %sub3A_476 : vector<1024x32xf32>
    %reduce_sum3A_478 = arith.constant dense<0.000000e+00> : vector<1024xf32>
    %reduce_sum3A_479 = vector.multi_reduction <add>, %integer_pow3A_477, %reduce_sum3A_478 [1] : vector<1024x32xf32> to vector<1024xf32>
    %broadcast_in_dim3A_480 = vector.shape_cast %reduce_sum3A_479 : vector<1024xf32> to vector<1024x1xf32>
    %div3A_481 = arith.constant 3.200000e+01 : f32
    %div3A_482 = vector.broadcast %div3A_481 : f32 to vector<1024x1xf32>
    %div3A_483 = arith.divf %broadcast_in_dim3A_480, %div3A_482 : vector<1024x1xf32>
    %sub3A_484 = vector.broadcast %div3A_474 : vector<1024x1xf32> to vector<1024x32xf32>
    %sub3A_485 = arith.subf %add3A_468, %sub3A_484 : vector<1024x32xf32>
    %add3A_486 = arith.constant 9.99999974E-6 : f32
    %add3A_487 = vector.broadcast %add3A_486 : f32 to vector<1024x1xf32>
    %add3A_488 = arith.addf %div3A_483, %add3A_487 : vector<1024x1xf32>
    %rsqrt3A_489 = math.rsqrt %add3A_488 : vector<1024x1xf32>
    %mul3A_490 = vector.broadcast %rsqrt3A_489 : vector<1024x1xf32> to vector<1024x32xf32>
    %mul3A_491 = arith.mulf %sub3A_485, %mul3A_490 : vector<1024x32xf32>
    %mul3A_492 = vector.broadcast %get3A_25 : vector<1x32xf32> to vector<1024x32xf32>
    %mul3A_493 = arith.mulf %mul3A_491, %mul3A_492 : vector<1024x32xf32>
    %add3A_494 = vector.broadcast %get3A_28 : vector<1x32xf32> to vector<1024x32xf32>
    %add3A_495 = arith.addf %mul3A_493, %add3A_494 : vector<1024x32xf32>
    %gt3A_496 = arith.constant 0.000000e+00 : f32
    %gt3A_497 = vector.broadcast %gt3A_496 : f32 to vector<1024x32xf32>
    %gt3A_498 = arith.cmpf ogt, %add3A_495, %gt3A_497 : vector<1024x32xf32>
    %min3A_499 = arith.constant 0.000000e+00 : f32
    %min3A_500 = vector.broadcast %min3A_499 : f32 to vector<1024x32xf32>
    %min3A_501 = arith.minimumf %add3A_495, %min3A_500 : vector<1024x32xf32>
    %exp3A_502 = math.exp %min3A_501 : vector<1024x32xf32>
    %sub3A_503 = arith.constant 1.000000e+00 : f32
    %sub3A_504 = vector.broadcast %sub3A_503 : f32 to vector<1024x32xf32>
    %sub3A_505 = arith.subf %exp3A_502, %sub3A_504 : vector<1024x32xf32>
    %select_n3A_506 = arith.select %gt3A_498, %add3A_495, %sub3A_505 : vector<1024x32xi1>, vector<1024x32xf32>
    %get3A_507 = arith.constant 0 : index
    %get3A_508 = arith.constant 0 : index
    %get3A_509 = vector.load %arg9[%get3A_507, %get3A_508] : memref<32x128xf32, #tpu.memory_space<vmem>>, vector<32x128xf32>
    %get3A_510 = arith.constant 0 : index
    %get3A_511 = arith.constant 0 : index
    %get3A_512 = vector.load %arg10[%get3A_510, %get3A_511] : memref<32x128xf32, #tpu.memory_space<vmem>>, vector<32x128xf32>
    %get3A_513 = arith.constant 0 : index
    %get3A_514 = arith.constant 0 : index
    %get3A_515 = vector.load %arg11[%get3A_513, %get3A_514] : memref<1x128xf32, #tpu.memory_space<vmem>>, vector<1x128xf32>
    %broadcast_in_dim3A_516 = arith.constant 0.000000e+00 : f32
    %broadcast_in_dim3A_517 = vector.broadcast %broadcast_in_dim3A_516 : f32 to vector<1024x32xf32>
    %broadcast_in_dim3A_518 = arith.constant 0.000000e+00 : f32
    %broadcast_in_dim3A_519 = vector.broadcast %broadcast_in_dim3A_518 : f32 to vector<1024x32xf32>
    %dot_general3A = arith.constant dense<0.000000e+00> : vector<1024x128xf32>
    %dot_general3A_520 = tpu.matmul %select_n3A, %get3A_509, %dot_general3A {dimension_numbers = #tpu.dot_dimension_numbers<[1], [0], [0], [1], [0, 0, 1, 1], [], []>, transpose_lhs_hint = false} : vector<1024x32xf32>, vector<32x128xf32>, vector<1024x128xf32> -> vector<1024x128xf32>
    %dot_general3A_521 = arith.constant dense<0.000000e+00> : vector<1024x128xf32>
    %dot_general3A_522 = tpu.matmul %broadcast_in_dim3A_517, %get3A_512, %dot_general3A_521 {dimension_numbers = #tpu.dot_dimension_numbers<[1], [0], [0], [1], [0, 0, 1, 1], [], []>, transpose_lhs_hint = false} : vector<1024x32xf32>, vector<32x128xf32>, vector<1024x128xf32> -> vector<1024x128xf32>
    %add3A_523 = arith.addf %dot_general3A_520, %dot_general3A_522 : vector<1024x128xf32>
    %add3A_524 = vector.broadcast %get3A_515 : vector<1x128xf32> to vector<1024x128xf32>
    %add3A_525 = arith.addf %add3A_523, %add3A_524 : vector<1024x128xf32>
    %slice3A_526 = vector.extract_strided_slice %add3A_525 {offsets = [0, 0], sizes = [1024, 32], strides = [1, 1]} : vector<1024x128xf32> to vector<1024x32xf32>
    %logistic3A = arith.negf %slice3A_526 : vector<1024x32xf32>
    %logistic3A_527 = math.exp %logistic3A : vector<1024x32xf32>
    %logistic3A_528 = arith.constant 1.000000e+00 : f32
    %logistic3A_529 = vector.broadcast %logistic3A_528 : f32 to vector<1024x32xf32>
    %logistic3A_530 = arith.addf %logistic3A_529, %logistic3A_527 : vector<1024x32xf32>
    %logistic3A_531 = arith.divf %logistic3A_529, %logistic3A_530 : vector<1024x32xf32>
    %slice3A_532 = vector.extract_strided_slice %add3A_525 {offsets = [0, 32], sizes = [1024, 32], strides = [1, 1]} : vector<1024x128xf32> to vector<1024x32xf32>
    %logistic3A_533 = arith.negf %slice3A_532 : vector<1024x32xf32>
    %logistic3A_534 = math.exp %logistic3A_533 : vector<1024x32xf32>
    %logistic3A_535 = arith.constant 1.000000e+00 : f32
    %logistic3A_536 = vector.broadcast %logistic3A_535 : f32 to vector<1024x32xf32>
    %logistic3A_537 = arith.addf %logistic3A_536, %logistic3A_534 : vector<1024x32xf32>
    %logistic3A_538 = arith.divf %logistic3A_536, %logistic3A_537 : vector<1024x32xf32>
    %slice3A_539 = vector.extract_strided_slice %add3A_525 {offsets = [0, 64], sizes = [1024, 32], strides = [1, 1]} : vector<1024x128xf32> to vector<1024x32xf32>
    %tanh3A = math.tanh %slice3A_539 : vector<1024x32xf32>
    %slice3A_540 = vector.extract_strided_slice %add3A_525 {offsets = [0, 96], sizes = [1024, 32], strides = [1, 1]} : vector<1024x128xf32> to vector<1024x32xf32>
    %logistic3A_541 = arith.negf %slice3A_540 : vector<1024x32xf32>
    %logistic3A_542 = math.exp %logistic3A_541 : vector<1024x32xf32>
    %logistic3A_543 = arith.constant 1.000000e+00 : f32
    %logistic3A_544 = vector.broadcast %logistic3A_543 : f32 to vector<1024x32xf32>
    %logistic3A_545 = arith.addf %logistic3A_544, %logistic3A_542 : vector<1024x32xf32>
    %logistic3A_546 = arith.divf %logistic3A_544, %logistic3A_545 : vector<1024x32xf32>
    %mul3A_547 = arith.mulf %logistic3A_538, %broadcast_in_dim3A_519 : vector<1024x32xf32>
    %mul3A_548 = arith.mulf %logistic3A_531, %tanh3A : vector<1024x32xf32>
    %add3A_549 = arith.addf %mul3A_547, %mul3A_548 : vector<1024x32xf32>
    %tanh3A_550 = math.tanh %add3A_549 : vector<1024x32xf32>
    %mul3A_551 = arith.mulf %logistic3A_546, %tanh3A_550 : vector<1024x32xf32>
    %dot_general3A_552 = arith.constant dense<0.000000e+00> : vector<1024x128xf32>
    %dot_general3A_553 = tpu.matmul %select_n3A_178, %get3A_509, %dot_general3A_552 {dimension_numbers = #tpu.dot_dimension_numbers<[1], [0], [0], [1], [0, 0, 1, 1], [], []>, transpose_lhs_hint = false} : vector<1024x32xf32>, vector<32x128xf32>, vector<1024x128xf32> -> vector<1024x128xf32>
    %dot_general3A_554 = arith.constant dense<0.000000e+00> : vector<1024x128xf32>
    %dot_general3A_555 = tpu.matmul %mul3A_551, %get3A_512, %dot_general3A_554 {dimension_numbers = #tpu.dot_dimension_numbers<[1], [0], [0], [1], [0, 0, 1, 1], [], []>, transpose_lhs_hint = false} : vector<1024x32xf32>, vector<32x128xf32>, vector<1024x128xf32> -> vector<1024x128xf32>
    %add3A_556 = arith.addf %dot_general3A_553, %dot_general3A_555 : vector<1024x128xf32>
    %add3A_557 = vector.broadcast %get3A_515 : vector<1x128xf32> to vector<1024x128xf32>
    %add3A_558 = arith.addf %add3A_556, %add3A_557 : vector<1024x128xf32>
    %slice3A_559 = vector.extract_strided_slice %add3A_558 {offsets = [0, 0], sizes = [1024, 32], strides = [1, 1]} : vector<1024x128xf32> to vector<1024x32xf32>
    %logistic3A_560 = arith.negf %slice3A_559 : vector<1024x32xf32>
    %logistic3A_561 = math.exp %logistic3A_560 : vector<1024x32xf32>
    %logistic3A_562 = arith.constant 1.000000e+00 : f32
    %logistic3A_563 = vector.broadcast %logistic3A_562 : f32 to vector<1024x32xf32>
    %logistic3A_564 = arith.addf %logistic3A_563, %logistic3A_561 : vector<1024x32xf32>
    %logistic3A_565 = arith.divf %logistic3A_563, %logistic3A_564 : vector<1024x32xf32>
    %slice3A_566 = vector.extract_strided_slice %add3A_558 {offsets = [0, 32], sizes = [1024, 32], strides = [1, 1]} : vector<1024x128xf32> to vector<1024x32xf32>
    %logistic3A_567 = arith.negf %slice3A_566 : vector<1024x32xf32>
    %logistic3A_568 = math.exp %logistic3A_567 : vector<1024x32xf32>
    %logistic3A_569 = arith.constant 1.000000e+00 : f32
    %logistic3A_570 = vector.broadcast %logistic3A_569 : f32 to vector<1024x32xf32>
    %logistic3A_571 = arith.addf %logistic3A_570, %logistic3A_568 : vector<1024x32xf32>
    %logistic3A_572 = arith.divf %logistic3A_570, %logistic3A_571 : vector<1024x32xf32>
    %slice3A_573 = vector.extract_strided_slice %add3A_558 {offsets = [0, 64], sizes = [1024, 32], strides = [1, 1]} : vector<1024x128xf32> to vector<1024x32xf32>
    %tanh3A_574 = math.tanh %slice3A_573 : vector<1024x32xf32>
    %slice3A_575 = vector.extract_strided_slice %add3A_558 {offsets = [0, 96], sizes = [1024, 32], strides = [1, 1]} : vector<1024x128xf32> to vector<1024x32xf32>
    %logistic3A_576 = arith.negf %slice3A_575 : vector<1024x32xf32>
    %logistic3A_577 = math.exp %logistic3A_576 : vector<1024x32xf32>
    %logistic3A_578 = arith.constant 1.000000e+00 : f32
    %logistic3A_579 = vector.broadcast %logistic3A_578 : f32 to vector<1024x32xf32>
    %logistic3A_580 = arith.addf %logistic3A_579, %logistic3A_577 : vector<1024x32xf32>
    %logistic3A_581 = arith.divf %logistic3A_579, %logistic3A_580 : vector<1024x32xf32>
    %mul3A_582 = arith.mulf %logistic3A_572, %add3A_549 : vector<1024x32xf32>
    %mul3A_583 = arith.mulf %logistic3A_565, %tanh3A_574 : vector<1024x32xf32>
    %add3A_584 = arith.addf %mul3A_582, %mul3A_583 : vector<1024x32xf32>
    %tanh3A_585 = math.tanh %add3A_584 : vector<1024x32xf32>
    %mul3A_586 = arith.mulf %logistic3A_581, %tanh3A_585 : vector<1024x32xf32>
    %dot_general3A_587 = arith.constant dense<0.000000e+00> : vector<1024x128xf32>
    %dot_general3A_588 = tpu.matmul %select_n3A_260, %get3A_509, %dot_general3A_587 {dimension_numbers = #tpu.dot_dimension_numbers<[1], [0], [0], [1], [0, 0, 1, 1], [], []>, transpose_lhs_hint = false} : vector<1024x32xf32>, vector<32x128xf32>, vector<1024x128xf32> -> vector<1024x128xf32>
    %dot_general3A_589 = arith.constant dense<0.000000e+00> : vector<1024x128xf32>
    %dot_general3A_590 = tpu.matmul %mul3A_586, %get3A_512, %dot_general3A_589 {dimension_numbers = #tpu.dot_dimension_numbers<[1], [0], [0], [1], [0, 0, 1, 1], [], []>, transpose_lhs_hint = false} : vector<1024x32xf32>, vector<32x128xf32>, vector<1024x128xf32> -> vector<1024x128xf32>
    %add3A_591 = arith.addf %dot_general3A_588, %dot_general3A_590 : vector<1024x128xf32>
    %add3A_592 = vector.broadcast %get3A_515 : vector<1x128xf32> to vector<1024x128xf32>
    %add3A_593 = arith.addf %add3A_591, %add3A_592 : vector<1024x128xf32>
    %slice3A_594 = vector.extract_strided_slice %add3A_593 {offsets = [0, 0], sizes = [1024, 32], strides = [1, 1]} : vector<1024x128xf32> to vector<1024x32xf32>
    %logistic3A_595 = arith.negf %slice3A_594 : vector<1024x32xf32>
    %logistic3A_596 = math.exp %logistic3A_595 : vector<1024x32xf32>
    %logistic3A_597 = arith.constant 1.000000e+00 : f32
    %logistic3A_598 = vector.broadcast %logistic3A_597 : f32 to vector<1024x32xf32>
    %logistic3A_599 = arith.addf %logistic3A_598, %logistic3A_596 : vector<1024x32xf32>
    %logistic3A_600 = arith.divf %logistic3A_598, %logistic3A_599 : vector<1024x32xf32>
    %slice3A_601 = vector.extract_strided_slice %add3A_593 {offsets = [0, 32], sizes = [1024, 32], strides = [1, 1]} : vector<1024x128xf32> to vector<1024x32xf32>
    %logistic3A_602 = arith.negf %slice3A_601 : vector<1024x32xf32>
    %logistic3A_603 = math.exp %logistic3A_602 : vector<1024x32xf32>
    %logistic3A_604 = arith.constant 1.000000e+00 : f32
    %logistic3A_605 = vector.broadcast %logistic3A_604 : f32 to vector<1024x32xf32>
    %logistic3A_606 = arith.addf %logistic3A_605, %logistic3A_603 : vector<1024x32xf32>
    %logistic3A_607 = arith.divf %logistic3A_605, %logistic3A_606 : vector<1024x32xf32>
    %slice3A_608 = vector.extract_strided_slice %add3A_593 {offsets = [0, 64], sizes = [1024, 32], strides = [1, 1]} : vector<1024x128xf32> to vector<1024x32xf32>
    %tanh3A_609 = math.tanh %slice3A_608 : vector<1024x32xf32>
    %slice3A_610 = vector.extract_strided_slice %add3A_593 {offsets = [0, 96], sizes = [1024, 32], strides = [1, 1]} : vector<1024x128xf32> to vector<1024x32xf32>
    %logistic3A_611 = arith.negf %slice3A_610 : vector<1024x32xf32>
    %logistic3A_612 = math.exp %logistic3A_611 : vector<1024x32xf32>
    %logistic3A_613 = arith.constant 1.000000e+00 : f32
    %logistic3A_614 = vector.broadcast %logistic3A_613 : f32 to vector<1024x32xf32>
    %logistic3A_615 = arith.addf %logistic3A_614, %logistic3A_612 : vector<1024x32xf32>
    %logistic3A_616 = arith.divf %logistic3A_614, %logistic3A_615 : vector<1024x32xf32>
    %mul3A_617 = arith.mulf %logistic3A_607, %add3A_584 : vector<1024x32xf32>
    %mul3A_618 = arith.mulf %logistic3A_600, %tanh3A_609 : vector<1024x32xf32>
    %add3A_619 = arith.addf %mul3A_617, %mul3A_618 : vector<1024x32xf32>
    %tanh3A_620 = math.tanh %add3A_619 : vector<1024x32xf32>
    %mul3A_621 = arith.mulf %logistic3A_616, %tanh3A_620 : vector<1024x32xf32>
    %dot_general3A_622 = arith.constant dense<0.000000e+00> : vector<1024x128xf32>
    %dot_general3A_623 = tpu.matmul %select_n3A_342, %get3A_509, %dot_general3A_622 {dimension_numbers = #tpu.dot_dimension_numbers<[1], [0], [0], [1], [0, 0, 1, 1], [], []>, transpose_lhs_hint = false} : vector<1024x32xf32>, vector<32x128xf32>, vector<1024x128xf32> -> vector<1024x128xf32>
    %dot_general3A_624 = arith.constant dense<0.000000e+00> : vector<1024x128xf32>
    %dot_general3A_625 = tpu.matmul %mul3A_621, %get3A_512, %dot_general3A_624 {dimension_numbers = #tpu.dot_dimension_numbers<[1], [0], [0], [1], [0, 0, 1, 1], [], []>, transpose_lhs_hint = false} : vector<1024x32xf32>, vector<32x128xf32>, vector<1024x128xf32> -> vector<1024x128xf32>
    %add3A_626 = arith.addf %dot_general3A_623, %dot_general3A_625 : vector<1024x128xf32>
    %add3A_627 = vector.broadcast %get3A_515 : vector<1x128xf32> to vector<1024x128xf32>
    %add3A_628 = arith.addf %add3A_626, %add3A_627 : vector<1024x128xf32>
    %slice3A_629 = vector.extract_strided_slice %add3A_628 {offsets = [0, 0], sizes = [1024, 32], strides = [1, 1]} : vector<1024x128xf32> to vector<1024x32xf32>
    %logistic3A_630 = arith.negf %slice3A_629 : vector<1024x32xf32>
    %logistic3A_631 = math.exp %logistic3A_630 : vector<1024x32xf32>
    %logistic3A_632 = arith.constant 1.000000e+00 : f32
    %logistic3A_633 = vector.broadcast %logistic3A_632 : f32 to vector<1024x32xf32>
    %logistic3A_634 = arith.addf %logistic3A_633, %logistic3A_631 : vector<1024x32xf32>
    %logistic3A_635 = arith.divf %logistic3A_633, %logistic3A_634 : vector<1024x32xf32>
    %slice3A_636 = vector.extract_strided_slice %add3A_628 {offsets = [0, 32], sizes = [1024, 32], strides = [1, 1]} : vector<1024x128xf32> to vector<1024x32xf32>
    %logistic3A_637 = arith.negf %slice3A_636 : vector<1024x32xf32>
    %logistic3A_638 = math.exp %logistic3A_637 : vector<1024x32xf32>
    %logistic3A_639 = arith.constant 1.000000e+00 : f32
    %logistic3A_640 = vector.broadcast %logistic3A_639 : f32 to vector<1024x32xf32>
    %logistic3A_641 = arith.addf %logistic3A_640, %logistic3A_638 : vector<1024x32xf32>
    %logistic3A_642 = arith.divf %logistic3A_640, %logistic3A_641 : vector<1024x32xf32>
    %slice3A_643 = vector.extract_strided_slice %add3A_628 {offsets = [0, 64], sizes = [1024, 32], strides = [1, 1]} : vector<1024x128xf32> to vector<1024x32xf32>
    %tanh3A_644 = math.tanh %slice3A_643 : vector<1024x32xf32>
    %slice3A_645 = vector.extract_strided_slice %add3A_628 {offsets = [0, 96], sizes = [1024, 32], strides = [1, 1]} : vector<1024x128xf32> to vector<1024x32xf32>
    %logistic3A_646 = arith.negf %slice3A_645 : vector<1024x32xf32>
    %logistic3A_647 = math.exp %logistic3A_646 : vector<1024x32xf32>
    %logistic3A_648 = arith.constant 1.000000e+00 : f32
    %logistic3A_649 = vector.broadcast %logistic3A_648 : f32 to vector<1024x32xf32>
    %logistic3A_650 = arith.addf %logistic3A_649, %logistic3A_647 : vector<1024x32xf32>
    %logistic3A_651 = arith.divf %logistic3A_649, %logistic3A_650 : vector<1024x32xf32>
    %mul3A_652 = arith.mulf %logistic3A_642, %add3A_619 : vector<1024x32xf32>
    %mul3A_653 = arith.mulf %logistic3A_635, %tanh3A_644 : vector<1024x32xf32>
    %add3A_654 = arith.addf %mul3A_652, %mul3A_653 : vector<1024x32xf32>
    %tanh3A_655 = math.tanh %add3A_654 : vector<1024x32xf32>
    %mul3A_656 = arith.mulf %logistic3A_651, %tanh3A_655 : vector<1024x32xf32>
    %dot_general3A_657 = arith.constant dense<0.000000e+00> : vector<1024x128xf32>
    %dot_general3A_658 = tpu.matmul %select_n3A_424, %get3A_509, %dot_general3A_657 {dimension_numbers = #tpu.dot_dimension_numbers<[1], [0], [0], [1], [0, 0, 1, 1], [], []>, transpose_lhs_hint = false} : vector<1024x32xf32>, vector<32x128xf32>, vector<1024x128xf32> -> vector<1024x128xf32>
    %dot_general3A_659 = arith.constant dense<0.000000e+00> : vector<1024x128xf32>
    %dot_general3A_660 = tpu.matmul %mul3A_656, %get3A_512, %dot_general3A_659 {dimension_numbers = #tpu.dot_dimension_numbers<[1], [0], [0], [1], [0, 0, 1, 1], [], []>, transpose_lhs_hint = false} : vector<1024x32xf32>, vector<32x128xf32>, vector<1024x128xf32> -> vector<1024x128xf32>
    %add3A_661 = arith.addf %dot_general3A_658, %dot_general3A_660 : vector<1024x128xf32>
    %add3A_662 = vector.broadcast %get3A_515 : vector<1x128xf32> to vector<1024x128xf32>
    %add3A_663 = arith.addf %add3A_661, %add3A_662 : vector<1024x128xf32>
    %slice3A_664 = vector.extract_strided_slice %add3A_663 {offsets = [0, 0], sizes = [1024, 32], strides = [1, 1]} : vector<1024x128xf32> to vector<1024x32xf32>
    %logistic3A_665 = arith.negf %slice3A_664 : vector<1024x32xf32>
    %logistic3A_666 = math.exp %logistic3A_665 : vector<1024x32xf32>
    %logistic3A_667 = arith.constant 1.000000e+00 : f32
    %logistic3A_668 = vector.broadcast %logistic3A_667 : f32 to vector<1024x32xf32>
    %logistic3A_669 = arith.addf %logistic3A_668, %logistic3A_666 : vector<1024x32xf32>
    %logistic3A_670 = arith.divf %logistic3A_668, %logistic3A_669 : vector<1024x32xf32>
    %slice3A_671 = vector.extract_strided_slice %add3A_663 {offsets = [0, 32], sizes = [1024, 32], strides = [1, 1]} : vector<1024x128xf32> to vector<1024x32xf32>
    %logistic3A_672 = arith.negf %slice3A_671 : vector<1024x32xf32>
    %logistic3A_673 = math.exp %logistic3A_672 : vector<1024x32xf32>
    %logistic3A_674 = arith.constant 1.000000e+00 : f32
    %logistic3A_675 = vector.broadcast %logistic3A_674 : f32 to vector<1024x32xf32>
    %logistic3A_676 = arith.addf %logistic3A_675, %logistic3A_673 : vector<1024x32xf32>
    %logistic3A_677 = arith.divf %logistic3A_675, %logistic3A_676 : vector<1024x32xf32>
    %slice3A_678 = vector.extract_strided_slice %add3A_663 {offsets = [0, 64], sizes = [1024, 32], strides = [1, 1]} : vector<1024x128xf32> to vector<1024x32xf32>
    %tanh3A_679 = math.tanh %slice3A_678 : vector<1024x32xf32>
    %slice3A_680 = vector.extract_strided_slice %add3A_663 {offsets = [0, 96], sizes = [1024, 32], strides = [1, 1]} : vector<1024x128xf32> to vector<1024x32xf32>
    %logistic3A_681 = arith.negf %slice3A_680 : vector<1024x32xf32>
    %logistic3A_682 = math.exp %logistic3A_681 : vector<1024x32xf32>
    %logistic3A_683 = arith.constant 1.000000e+00 : f32
    %logistic3A_684 = vector.broadcast %logistic3A_683 : f32 to vector<1024x32xf32>
    %logistic3A_685 = arith.addf %logistic3A_684, %logistic3A_682 : vector<1024x32xf32>
    %logistic3A_686 = arith.divf %logistic3A_684, %logistic3A_685 : vector<1024x32xf32>
    %mul3A_687 = arith.mulf %logistic3A_677, %add3A_654 : vector<1024x32xf32>
    %mul3A_688 = arith.mulf %logistic3A_670, %tanh3A_679 : vector<1024x32xf32>
    %add3A_689 = arith.addf %mul3A_687, %mul3A_688 : vector<1024x32xf32>
    %tanh3A_690 = math.tanh %add3A_689 : vector<1024x32xf32>
    %mul3A_691 = arith.mulf %logistic3A_686, %tanh3A_690 : vector<1024x32xf32>
    %dot_general3A_692 = arith.constant dense<0.000000e+00> : vector<1024x128xf32>
    %dot_general3A_693 = tpu.matmul %select_n3A_506, %get3A_509, %dot_general3A_692 {dimension_numbers = #tpu.dot_dimension_numbers<[1], [0], [0], [1], [0, 0, 1, 1], [], []>, transpose_lhs_hint = false} : vector<1024x32xf32>, vector<32x128xf32>, vector<1024x128xf32> -> vector<1024x128xf32>
    %dot_general3A_694 = arith.constant dense<0.000000e+00> : vector<1024x128xf32>
    %dot_general3A_695 = tpu.matmul %mul3A_691, %get3A_512, %dot_general3A_694 {dimension_numbers = #tpu.dot_dimension_numbers<[1], [0], [0], [1], [0, 0, 1, 1], [], []>, transpose_lhs_hint = false} : vector<1024x32xf32>, vector<32x128xf32>, vector<1024x128xf32> -> vector<1024x128xf32>
    %add3A_696 = arith.addf %dot_general3A_693, %dot_general3A_695 : vector<1024x128xf32>
    %add3A_697 = vector.broadcast %get3A_515 : vector<1x128xf32> to vector<1024x128xf32>
    %add3A_698 = arith.addf %add3A_696, %add3A_697 : vector<1024x128xf32>
    %slice3A_699 = vector.extract_strided_slice %add3A_698 {offsets = [0, 0], sizes = [1024, 32], strides = [1, 1]} : vector<1024x128xf32> to vector<1024x32xf32>
    %logistic3A_700 = arith.negf %slice3A_699 : vector<1024x32xf32>
    %logistic3A_701 = math.exp %logistic3A_700 : vector<1024x32xf32>
    %logistic3A_702 = arith.constant 1.000000e+00 : f32
    %logistic3A_703 = vector.broadcast %logistic3A_702 : f32 to vector<1024x32xf32>
    %logistic3A_704 = arith.addf %logistic3A_703, %logistic3A_701 : vector<1024x32xf32>
    %logistic3A_705 = arith.divf %logistic3A_703, %logistic3A_704 : vector<1024x32xf32>
    %slice3A_706 = vector.extract_strided_slice %add3A_698 {offsets = [0, 32], sizes = [1024, 32], strides = [1, 1]} : vector<1024x128xf32> to vector<1024x32xf32>
    %logistic3A_707 = arith.negf %slice3A_706 : vector<1024x32xf32>
    %logistic3A_708 = math.exp %logistic3A_707 : vector<1024x32xf32>
    %logistic3A_709 = arith.constant 1.000000e+00 : f32
    %logistic3A_710 = vector.broadcast %logistic3A_709 : f32 to vector<1024x32xf32>
    %logistic3A_711 = arith.addf %logistic3A_710, %logistic3A_708 : vector<1024x32xf32>
    %logistic3A_712 = arith.divf %logistic3A_710, %logistic3A_711 : vector<1024x32xf32>
    %slice3A_713 = vector.extract_strided_slice %add3A_698 {offsets = [0, 64], sizes = [1024, 32], strides = [1, 1]} : vector<1024x128xf32> to vector<1024x32xf32>
    %tanh3A_714 = math.tanh %slice3A_713 : vector<1024x32xf32>
    %slice3A_715 = vector.extract_strided_slice %add3A_698 {offsets = [0, 96], sizes = [1024, 32], strides = [1, 1]} : vector<1024x128xf32> to vector<1024x32xf32>
    %logistic3A_716 = arith.negf %slice3A_715 : vector<1024x32xf32>
    %logistic3A_717 = math.exp %logistic3A_716 : vector<1024x32xf32>
    %logistic3A_718 = arith.constant 1.000000e+00 : f32
    %logistic3A_719 = vector.broadcast %logistic3A_718 : f32 to vector<1024x32xf32>
    %logistic3A_720 = arith.addf %logistic3A_719, %logistic3A_717 : vector<1024x32xf32>
    %logistic3A_721 = arith.divf %logistic3A_719, %logistic3A_720 : vector<1024x32xf32>
    %mul3A_722 = arith.mulf %logistic3A_712, %add3A_689 : vector<1024x32xf32>
    %mul3A_723 = arith.mulf %logistic3A_705, %tanh3A_714 : vector<1024x32xf32>
    %add3A_724 = arith.addf %mul3A_722, %mul3A_723 : vector<1024x32xf32>
    %tanh3A_725 = math.tanh %add3A_724 : vector<1024x32xf32>
    %mul3A_726 = arith.mulf %logistic3A_721, %tanh3A_725 : vector<1024x32xf32>
    %get3A_727 = arith.constant 0 : index
    %get3A_728 = arith.constant 0 : index
    %get3A_729 = vector.load %arg12[%get3A_727, %get3A_728] : memref<32x16xf32, #tpu.memory_space<vmem>>, vector<32x16xf32>
    %dot_general3A_730 = arith.constant dense<0.000000e+00> : vector<1024x16xf32>
    %dot_general3A_731 = tpu.matmul %mul3A_726, %get3A_729, %dot_general3A_730 {dimension_numbers = #tpu.dot_dimension_numbers<[1], [0], [0], [1], [0, 0, 1, 1], [], []>, transpose_lhs_hint = false} : vector<1024x32xf32>, vector<32x16xf32>, vector<1024x16xf32> -> vector<1024x16xf32>
    %get3A_732 = arith.constant 0 : index
    %get3A_733 = arith.constant 0 : index
    %get3A_734 = vector.load %arg13[%get3A_732, %get3A_733] : memref<1x16xf32, #tpu.memory_space<vmem>>, vector<1x16xf32>
    %add3A_735 = vector.broadcast %get3A_734 : vector<1x16xf32> to vector<1024x16xf32>
    %add3A_736 = arith.addf %dot_general3A_731, %add3A_735 : vector<1024x16xf32>
    %max3A_737 = arith.constant 0.000000e+00 : f32
    %max3A_738 = vector.broadcast %max3A_737 : f32 to vector<1024x16xf32>
    %max3A_739 = arith.maximumf %add3A_736, %max3A_738 : vector<1024x16xf32>
    %get3A_740 = arith.constant 0 : index
    %get3A_741 = arith.constant 0 : index
    %get3A_742 = vector.load %arg14[%get3A_740, %get3A_741] : memref<16x8xf32, #tpu.memory_space<vmem>>, vector<16x8xf32>
    %dot_general3A_743 = arith.constant dense<0.000000e+00> : vector<1024x8xf32>
    %dot_general3A_744 = tpu.matmul %max3A_739, %get3A_742, %dot_general3A_743 {dimension_numbers = #tpu.dot_dimension_numbers<[1], [0], [0], [1], [0, 0, 1, 1], [], []>, transpose_lhs_hint = false} : vector<1024x16xf32>, vector<16x8xf32>, vector<1024x8xf32> -> vector<1024x8xf32>
    %add3A_745 = vector.broadcast %get3A_16 : f32 to vector<1024x8xf32>
    %add3A_746 = arith.addf %dot_general3A_744, %add3A_745 : vector<1024x8xf32>
    %slice3A_747 = vector.extract_strided_slice %get3A_7 {offsets = [0, 5], sizes = [1024, 1], strides = [1, 1]} : vector<1024x8xf32> to vector<1024x1xf32>
    %add3A_748 = vector.broadcast %slice3A_747 : vector<1024x1xf32> to vector<1024x8xf32>
    %add3A_749 = arith.addf %add3A_748, %add3A_746 : vector<1024x8xf32>
    %swap3A = arith.constant 0 : index
    %swap3A_750 = arith.constant 0 : index
    %swap3A_751 = vector.load %arg15[%swap3A, %swap3A_750] : memref<1024x8xf32, #tpu.memory_space<vmem>>, vector<1024x8xf32>
    tpu.vector_store %arg15[%swap3A, %swap3A_750], %add3A_749 {strides = array<i32>} : memref<1024x8xf32, #tpu.memory_space<vmem>>, vector<1024x8xf32>,
    return
  }
  func.func @transform_0(%arg0: i32) -> (i32, i32) {
    %c0_i32 = arith.constant 0 : i32
    %c0_i32_0 = arith.constant 0 : i32
    %c0_i32_1 = arith.constant 0 : i32
    return %c0_i32, %c0_i32_0 : i32, i32
  }
  func.func @transform_1(%arg0: i32) -> (i32, i32) {
    %c0_i32 = arith.constant 0 : i32
    %c0_i32_0 = arith.constant 0 : i32
    return %arg0, %c0_i32 : i32, i32
  }
  func.func @transform_2(%arg0: i32) -> (i32, i32) {
    %c0_i32 = arith.constant 0 : i32
    %c0_i32_0 = arith.constant 0 : i32
    return %arg0, %c0_i32 : i32, i32
  }
  func.func @transform_3(%arg0: i32) -> (i32, i32) {
    %c0_i32 = arith.constant 0 : i32
    %c0_i32_0 = arith.constant 0 : i32
    return %arg0, %c0_i32 : i32, i32
  }
  func.func @transform_4(%arg0: i32) -> (i32, i32) {
    %c0_i32 = arith.constant 0 : i32
    %c0_i32_0 = arith.constant 0 : i32
    %c0_i32_1 = arith.constant 0 : i32
    return %c0_i32, %c0_i32_0 : i32, i32
  }
  func.func @transform_5(%arg0: i32) -> (i32, i32) {
    %c0_i32 = arith.constant 0 : i32
    %c0_i32_0 = arith.constant 0 : i32
    %c0_i32_1 = arith.constant 0 : i32
    return %c0_i32, %c0_i32_0 : i32, i32
  }
  func.func @transform_6(%arg0: i32) -> (i32, i32) {
    %c0_i32 = arith.constant 0 : i32
    %c0_i32_0 = arith.constant 0 : i32
    %c0_i32_1 = arith.constant 0 : i32
    return %c0_i32, %c0_i32_0 : i32, i32
  }
  func.func @transform_7(%arg0: i32) -> (i32, i32) {
    %c0_i32 = arith.constant 0 : i32
    %c0_i32_0 = arith.constant 0 : i32
    %c0_i32_1 = arith.constant 0 : i32
    return %c0_i32, %c0_i32_0 : i32, i32
  }
  func.func @transform_8(%arg0: i32) -> (i32, i32) {
    %c0_i32 = arith.constant 0 : i32
    %c0_i32_0 = arith.constant 0 : i32
    %c0_i32_1 = arith.constant 0 : i32
    return %c0_i32, %c0_i32_0 : i32, i32
  }
  func.func @transform_9(%arg0: i32) -> (i32, i32) {
    %c0_i32 = arith.constant 0 : i32
    %c0_i32_0 = arith.constant 0 : i32
    %c0_i32_1 = arith.constant 0 : i32
    return %c0_i32, %c0_i32_0 : i32, i32
  }
  func.func @transform_10(%arg0: i32) -> (i32, i32) {
    %c0_i32 = arith.constant 0 : i32
    %c0_i32_0 = arith.constant 0 : i32
    %c0_i32_1 = arith.constant 0 : i32
    return %c0_i32, %c0_i32_0 : i32, i32
  }
  func.func @transform_11(%arg0: i32) -> (i32, i32) {
    %c0_i32 = arith.constant 0 : i32
    %c0_i32_0 = arith.constant 0 : i32
    %c0_i32_1 = arith.constant 0 : i32
    return %c0_i32, %c0_i32_0 : i32, i32
  }
  func.func @transform_12(%arg0: i32) -> (i32, i32) {
    %c0_i32 = arith.constant 0 : i32
    %c0_i32_0 = arith.constant 0 : i32
    %c0_i32_1 = arith.constant 0 : i32
    return %c0_i32, %c0_i32_0 : i32, i32
  }
  func.func @transform_13(%arg0: i32) -> (i32, i32) {
    %c0_i32 = arith.constant 0 : i32
    %c0_i32_0 = arith.constant 0 : i32
    %c0_i32_1 = arith.constant 0 : i32
    return %c0_i32, %c0_i32_0 : i32, i32
  }
  func.func @transform_14(%arg0: i32) -> (i32, i32) {
    %c0_i32 = arith.constant 0 : i32
    %c0_i32_0 = arith.constant 0 : i32
    return %arg0, %c0_i32 : i32, i32
  }
}

</mosaic_0001>

<sc_bundles>
// kernel: kernel.4.cloned.1.call-start
scs
__scs_entry_jumppad:
0x0: {  	(pc) =	sbr.rel $0x88, $3  }
0x1: {  	(tag) =	ssettag $0x0;
	lr =	simm.s32 $0x1  }
0x2: {  	[smem:$0x3F8F] =	sst lr;
	_ =	strace $0xD0000000  }
0x3: {  	_ = 	snop  }
0x4: {  	_ = 	snop  }
0x5: {  	_ = 	snop  }
0x6: {  	_ = 	snop  }
0x7: {  	_ = 	snop  }
__scs_overlays_trampoline_lowered:
0x8: {  	[smem:$0x3F9E] =	sst s0  }
0x9: {  	[smem:$0x3F9F] =	sst s1  }
0xa: {  	[smem:$0x3FA0] =	sst s2  }
0xb: {  	[smem:$0x3FA1] =	sst s3  }
0xc: {  	[smem:$0x3FA2] =	sst s4  }
0xd: {  	[smem:$0x3FA3] =	sst s5  }
0xe: {  	[smem:$0x3FA4] =	sst s6  }
0xf: {  	[smem:$0x3FA5] =	sst s7  }
0x10: {  	[smem:$0x3FA6] =	sst s8  }
0x11: {  	[smem:$0x3FA7] =	sst s9;
	s0 =	simm.s32 @!p0 $0x0  }
0x12: {  	s1 =	sld [smem:$0x3F8D];
	s0 =	simm.s32 @p0 $0x1  }
0x13: {  	[smem:$0x3FA8] =	sst s0;
	s0 =	simm.s32 @!p1 $0x0  }
0x14: {  	s2 =	sld [smem:$0x3F8C];
	s0 =	simm.s32 @p1 $0x1  }
0x15: {  	[smem:$0x3FA9] =	sst s0;
	s0 =	simm.s32 @!p2 $0x0  }
0x16: {  	s3 =	sld [smem:$0x3FDB];
	s0 =	simm.s32 @p2 $0x1  }
0x17: {  	s4 =	simm.s32 $0x1BF5;
	[smem:$0x3FAB] =	sst s0  }
0x18: {  	s0 =	sld [smem:$0x3F8E];
	_ =	swait.ge [sflag:s4], $0x0  }
0x19: {  	s7 =	sld [smem:$0x3F8F]  }
0x1a: {  	s8 =	sadd.s32 $0xFFFFE003, lr  }
0x1b: {  	s9 =	sadd.s32 $0xFFFFFEF7, lr;
	s5 =	simm.s32 $0xFFFFFFFF;
	p2 =	slt.u32 s8, $0xFFFFF086  }
0x1c: {  	p1 =	slt.u32 s9, $0xF7A;
	s5 =	simm.s32 @!p2 $0x0  }
0x1d: {  	s5 =	simm.s32 @p1 $0x1;
	p0 =	seq.s32 s7, s2  }
0x1e: {  	s7 =	smul.u32 @!p0 $0xF7A, s2;
	p2 =	seq.s32 @!p0 s5, $0x0  }
0x1f: {  	s9 =	smul.u32 $0xF7A, s1;
	s8 =	simm.s32 @!p0 $0x1BF5;
	p2 =	por !p2, p0  }
0x20: {  	[sflag:s8] =	ssyncset.s32 @!p0 $0xFFFFF086;
	s6 =	sadd.s32 @!p0 s3, s7;
	s7 =	simm.s32 @!p0 $0x108  }
0x21: {  	s3 =	sadd.s32 s3, s9;
	s6 =	sadd.s32 @!p0 $0x88, s6;
	s7 =	simm.s32 @p2 $0x1082  }
0x22: {  	[simem:s7], [sflag:s8] =	dma.local @!p0 [hbm:s6], $0xF7A  }
0x23: {  	s9 =	sor.u32 $0xD0000000, s2;
	s6 =	simm.s32 $0x108;
	_ =	swait.ge @!p0 [sflag:s8], $0x0  }
0x24: {  	s3 =	sadd.s32 $0x88, s3;
	s6 =	simm.s32 @!p1 $0x1082;
	[sflag:s4] =	ssyncset.s32 $0xFFFFF086  }
0x25: {  	[simem:s6], [sflag:s4] =	dma.local [hbm:s3], $0xF7A  }
0x26: {  	[smem:$0x3F8F] =	sst s1;
	(tag) =	ssettag s2;
	_ =	strace s9  }
0x27: {  	s1 =	sld [smem:$0x3F9F]  }
0x28: {  	s2 =	sld [smem:$0x3FA0]  }
0x29: {  	s4 =	sld [smem:$0x3FA2]  }
0x2a: {  	p0 =	seq.s32 s5, $0x0;
	s5 =	sld [smem:$0x3FA3]  }
0x2b: {  	s6 =	sld [smem:$0x3FA4]  }
0x2c: {  	s7 =	sld [smem:$0x3FA5]  }
0x2d: {  	s3 =	simm.s32 $0x108;
	s8 =	sld [smem:$0x3FA6]  }
0x2e: {  	s3 =	simm.s32 @!p0 $0x1082;
	s9 =	sld [smem:$0x3FA7]  }
0x2f: {  	lr =	sadd.s32 s0, s3;
	s0 =	sld [smem:$0x3F9E]  }
0x30: {  	s3 =	sld [smem:$0x3FA1]  }
0x31: {  	[smem:$0x3FAA] =	sst s10  }
0x32: {  	s10 =	sld [smem:$0x3FA8];
	_ =	sdelay $0x3  }
0x33: {  	p0 =	seq.s32 s10, $0x1;
	s10 =	sld [smem:$0x3FAA];
	_ =	sdelay $0x3  }
0x34: {  	[smem:$0x3FAA] =	sst s10  }
0x35: {  	s10 =	sld [smem:$0x3FA9];
	_ =	sdelay $0x3  }
0x36: {  	p1 =	seq.s32 s10, $0x1;
	s10 =	sld [smem:$0x3FAA];
	_ =	sdelay $0x3  }
0x37: {  	[smem:$0x3FAA] =	sst s10  }
0x38: {  	s10 =	sld [smem:$0x3FAB]  }
0x39: {  	_ = 	snop;
	(pc) =	sbr.ind lr, $3  }
0x3a: {  	_ = 	snop  }
0x3b: {  	_ = 	snop  }
0x3c: {  	p2 =	seq.s32 s10, $0x1;
	s10 =	sld [smem:$0x3FAA]  }
0x3d: {  	_ =	shalt  }
0x3e: {  	_ =	shalt  }
0x3f: {  	_ =	shalt  }
0x40: {  	_ =	shalt  }
0x41: {  	_ =	shalt  }
0x42: {  	_ =	shalt  }
0x43: {  	_ =	shalt  }
0x44: {  	_ =	shalt  }
0x45: {  	_ =	shalt  }
0x46: {  	_ =	shalt  }
0x47: {  	_ =	shalt  }
0x48: {  	_ =	shalt  }
0x49: {  	_ =	shalt  }
0x4a: {  	_ =	shalt  }
0x4b: {  	_ =	shalt  }
0x4c: {  	_ =	shalt  }
0x4d: {  	_ =	shalt  }
0x4e: {  	_ =	shalt  }
0x4f: {  	_ =	shalt  }
0x50: {  	_ =	shalt  }
0x51: {  	_ =	shalt  }
0x52: {  	_ =	shalt  }
0x53: {  	_ =	shalt  }
0x54: {  	_ =	shalt  }
0x55: {  	_ =	shalt  }
0x56: {  	_ =	shalt  }
0x57: {  	_ =	shalt  }
0x58: {  	_ =	shalt  }
0x59: {  	_ =	shalt  }
0x5a: {  	_ =	shalt  }
0x5b: {  	_ =	shalt  }
0x5c: {  	_ =	shalt  }
0x5d: {  	_ =	shalt  }
0x5e: {  	_ =	shalt  }
0x5f: {  	_ =	shalt  }
0x60: {  	_ =	shalt  }
0x61: {  	_ =	shalt  }
0x62: {  	_ =	shalt  }
0x63: {  	_ =	shalt  }
0x64: {  	_ =	shalt  }
0x65: {  	_ =	shalt  }
0x66: {  	_ =	shalt  }
0x67: {  	_ =	shalt  }
0x68: {  	_ =	shalt  }
0x69: {  	_ =	shalt  }
0x6a: {  	_ =	shalt  }
0x6b: {  	_ =	shalt  }
0x6c: {  	_ =	shalt  }
0x6d: {  	_ =	shalt  }
0x6e: {  	_ =	shalt  }
0x6f: {  	_ =	shalt  }
0x70: {  	_ =	shalt  }
0x71: {  	_ =	shalt  }
0x72: {  	_ =	shalt  }
0x73: {  	_ =	shalt  }
0x74: {  	_ =	shalt  }
0x75: {  	_ =	shalt  }
0x76: {  	_ =	shalt  }
0x77: {  	_ =	shalt  }
0x78: {  	_ =	shalt  }
0x79: {  	_ =	shalt  }
0x7a: {  	_ =	shalt  }
0x7b: {  	_ =	shalt  }
0x7c: {  	_ =	shalt  }
0x7d: {  	_ =	shalt  }
0x7e: {  	_ =	shalt  }
0x7f: {  	_ =	shalt  }
0x80: {  	_ =	shalt  }
0x81: {  	_ =	shalt  }
0x82: {  	_ =	shalt  }
0x83: {  	_ =	shalt  }
0x84: {  	_ =	shalt  }
0x85: {  	_ =	shalt  }
0x86: {  	_ =	shalt  }
0x87: {  	_ =	shalt  }
.Lfunc_end0:
.L_simem_size_0:
called_computation_lowered:
.L_overlay_start_0:
0x88: {  	s2 =	sld [smem:$0x3FD9]  }
0x89: {  	s3 =	sld [smem:$0x3FFE];
	_ =	sdelay $0x1  }
0x8a: {  	s1 =	srdreg.scid  }
0x8b: {  	s0 =	sand.u32 $0x1, s1  }
0x8c: {  	s16 =	sshll.u32 s0, $0xA;
	s2 =	sadd.s32 s3, s2  }
0x8d: {  	s2 =	sadd.s32 s2, s16  }
0x8e: {  	[smem:$0x3FB6] =	sst s2  }
0x8f: {  	_ = 	snop  }
0x90: {  	(tm) =	ssettm $0x1  }
0x91: {  	s17 =	sld [smem:$0x3FFB];
	_ =	sdelay $0x3  }
0x92: {  	_ =	strace s17  }
0x93: {  	s2 =	sld [smem:$0x3FFC];
	_ =	sdelay $0x3  }
0x94: {  	_ =	strace s2  }
0x95: {  	s2 =	sld [smem:$0x3FFD];
	_ =	sdelay $0x3  }
0x96: {  	_ =	strace s2  }
0x97: {  	_ =	strace $0x8FFFFFFF  }
0x98: {  	s18 =	sld [smem:$0x3FDB];
	_ =	sdelay $0x1  }
0x99: {  	s19 =	simm.s32 $_scs_section_size  }
0x9a: {  	s4 =	simm.s32 $_size__tile_overlayer_lowered;
	s5 =	simm.s32 $_tile_overlayer_lowered  }
0x9b: {  	s22 =	simm.s32 $0x1BFF;
	s21 =	sshll.u32 s5, $0x1;
	s2 =	sadd.s32 s19, s18  }
0x9c: {  	s6 =	simm.s32 $0x0;
	s20 =	sshll.u32 s4, $0x1;
	s4 =	sadd.s32 s21, s2  }
0x9d: {  	[timem:s6], [sflag:s22] =	dma.local [hbm:s4], s20  }
0x9e: {  	_ =	swait.ge [sflag:s22], s20  }
0x9f: {  	s3 =	ssub.s32 $0x0, s20;
	[sflag:s22] =	ssyncset.done $0x0  }
0xa0: {  	[sflag:s22] =	ssyncadd.s32 s3;
	_ =	sdelay $0x1  }
0xa1: {  	s23 =	simm.s32 $0x1B8B  }
0xa2: {  	_ =	swait.ge [sflag:s23], $0x1  }
0xa3: {  	[sflag:s23] =	ssyncset.done $0x0  }
0xa4: {  	s25 =	simm.s32 $0x1B8E;
	s24 =	sld [smem:$0x3FFE];
	[sflag:s23] =	ssyncadd.s32 $0xFFFFFFFF  }
0xa5: {  	s26 =	simm.s32 $execute0_lowered;
	[smem:$0x3FD2] =	sst s25  }
0xa6: {  	s4 =	sshll.u32 s26, $0x1;
	_ =	strace $0x80000046;
	[dreg:$0x1] =	wrdreg $0xFFFFFFFF  }
0xa7: {  	s28 =	simm.s32 $_size_execute0_lowered;
	s2 =	sadd.s32 s2, s4;
	[dreg:$0x0] =	wrdreg $0x0  }
0xa8: {  	s4 =	sshll.u32 s28, $0x1;
	[dreg:$0x2] =	wrdreg s2  }
0xa9: {  	[dreg:$0x3] =	wrdreg s4  }
0xaa: {  	[dreg:$0x4] =	wrdreg $0xC0  }
0xab: {  	_ =	task [dreg:s6], $0x5FFFF  }
0xac: {  	[dreg:$0x1] =	wrdreg $0xFFFFFFFF  }
0xad: {  	[dreg:$0x0] =	wrdreg $0x60  }
0xae: {  	[dreg:$0x2] =	wrdreg s24  }
0xaf: {  	[dreg:$0x3] =	wrdreg $0xB0800  }
0xb0: {  	[dreg:$0x4] =	wrdreg $0x9  }
0xb1: {  	_ =	task.clear_ibuf [dreg:s6], $0x5FFFF;
	_ =	strace $0x90000046  }
0xb2: {  	s29 =	simm.s32 $0x9;
	_ =	strace $0x80000048  }
0xb3: {  	_ =	swait.ge [sflag:s29], $0x1  }
0xb4: {  	[sflag:s29] =	ssyncadd.s32 $0xFFFFFFFF  }
0xb5: {  	_ =	strace $0x90000048  }
0xb6: {  	_ =	sfence  }
0xb7: {  	s30 =	sld [smem:$0x0];
	_ =	sdelay $0x2  }
0xb8: {  	s31 =	sshll.u32 s1, $0xD;
	s1 =	sshrl.u32 s1, $0x2  }
0xb9: {  	s3 =	sand.u32 $0x4000, s31;
	s1 =	sadd.s32 s1, s30  }
0xba: {  	s0 =	sor.u32 s3, s0;
	s1 =	sshll.u32 s1, $0x11  }
0xbb: {  	s0 =	sor.u32 s1, s0  }
0xbc: {  	s0 =	sadd.s32 $0x8F2B, s0  }
0xbd: {  	[sflag:s0] =	ssyncadd.remote.s32 $0x1  }
0xbe: {  	_ =	sfence.sel $0xFFFF  }
0xbf: {  	[dreg:$0x0] =	wrdreg $0xFFFFFFFF;
	(pc) =	sbr.abs _section_cstart, $3  }
0xc0: {  	[dreg:$0x1] =	wrdreg $0xFFFFFFFF  }
0xc1: {  	_ =	task.clear_ibuf [dreg:s6], $0x2FFFF;
	_ =	strace $0x9FFFFFFF  }
0xc2: {  	(tm) =	ssettm $0x7FFFFFFF  }
0xc3: {  	_ =	shalt  }
tec
execute0_lowered:
.L_overlay_start_1:
0x0: {  	(tag) =	ssettag $0x1  }
0x1: {  	s2 =	rddreg [dreg:$0x0]  }
0x2: {  	s3 =	rddreg [dreg:$0x1]  }
0x3: {  	s0 =	rddreg [dreg:$0x2]  }
0x4: {  	s5 =	srdreg.scid;
	s1 =	stileid.u32;
	s4 =	simm.s32 $0x0  }
0x5: {  	s16 =	simm.s32 $0x5000;
	s17 =	simm.s32 $0x3;
	s18 =	simm.s32 $0xB000  }
0x6: {  	s19 =	simm.s32 $0x400;
	s20 =	simm.s32 $0x800;
	s21 =	simm.s32 $0x1000  }
0x7: {  	s22 =	simm.s32 $0x3000;
	s23 =	simm.s32 $0x1;
	s24 =	simm.s32 $0x2  }
0x8: {  	s9 =	sand.u32 $0x1, s5;
	s10 =	smul.u32 $0x12600, s1;
	[smem:$0x7FF] =	sst s4  }
0x9: {  	s5 =	sadd.s32 $0x3DA00, s2;
	s6 =	sadd.s32 $0x200, s2;
	s13 =	smul.u32 $0x49800, s1  }
0xa: {  	s7 =	sadd.s32 $0xF4C00, s2;
	s8 =	smul.u32 $0x126000, s9;
	s12 =	ssub.s32 $0x2, s9  }
0xb: {  	_ =	strace $0x80000047;
	s9 =	sshll.u32 s9, $0x4;
	s28 =	sshrl.u32 s12, $0x1  }
0xc: {  	s29 =	sshrl.u32 s13, $0x2;
	s30 =	sor.u32 s1, s9;
	s9 =	sadd.s32 s10, s3  }
0xd: {  	s8 =	sadd.s32 s10, s8;
	s15 =	ssub.s32 s12, s28;
	s31 =	sadd.s32 s29, s3  }
0xe: {  	s13 =	smul.u32 $0x6400, s30;
	s11 =	sshrl.u32 s8, $0x3;
	s8 =	sadd.s32 $0x31600, s2  }
0xf: {  	s10 =	sadd.s32 $0x6000, s31;
	s12 =	sadd.s32 $0x12000, s31;
	s14 =	sadd.s32 s11, s2  }
0x10: {  	v0 =	vimm.f32 $0.0e+00;
	v1 =	vlaneseq.u32;
	s15 =	smax.u32 s15, $0x1;
	s11 =	sadd.s32 $0xC000, s31;
	s14 =	sadd.s32 $0x56A00, s14  }
.LBB2_1:
0x11: {  	s26 =	simm.s32 $0x0  }
0x12: {  	s25 =	simm.s32 $0x60;
	[tilespmem:s26+$0x5000] =	vst v0  }
.LBB2_2:
0x13: {  	p0 =	sne.s32 s25, $0x17FA0;
	[tilespmem:s26+$0x5008] =	vst v0;
	s26 =	smov.u32 s25;
	s25 =	sadd.s32 $0x60, s25  }
.Ltmp0:
0x14: {  	(pc) =	sbr.rel @p0 .LBB2_2-.Ltmp0, $3  }
0x15: {  	_ =	sdelay $0x1  }
0x16: {  	s26 =	sshra.s32 s26, $0x2  }
0x17: {  	[tilespmem:s26+$0x5000] =	vst v0  }
0x18: {  	[tilespmem:s26+$0x5008] =	vst v0  }
0x19: {  	[spmem:s9] =	stream.linear.scatter [tilespmem:s16], [sflag:$0x3], $0x6000, $0x38;
	[tilespmem:$0x1D680] =	vst v63  }
0x1a: {  	_ =	swait.ge [sflag:s17], $0x6000  }
0x1b: {  	[sflag:s17] =	ssyncset.done $0x0  }
0x1c: {  	[sflag:s17] =	ssyncadd.s32 $0xFFFFA000  }
0x1d: {  	[spmem:s10] =	stream.linear.scatter [tilespmem:s16], [sflag:$0x3], $0x6000, $0x38;
	[tilespmem:$0x1D680] =	vst v63  }
0x1e: {  	_ =	swait.ge [sflag:s17], $0x6000  }
0x1f: {  	[sflag:s17] =	ssyncset.done $0x0  }
0x20: {  	[sflag:s17] =	ssyncadd.s32 $0xFFFFA000  }
0x21: {  	[spmem:s11] =	stream.linear.scatter [tilespmem:s16], [sflag:$0x3], $0x6000, $0x38;
	[tilespmem:$0x1D680] =	vst v63  }
0x22: {  	_ =	swait.ge [sflag:s17], $0x6000  }
0x23: {  	[sflag:s17] =	ssyncset.done $0x0  }
0x24: {  	[sflag:s17] =	ssyncadd.s32 $0xFFFFA000  }
0x25: {  	[spmem:s12] =	stream.linear.scatter [tilespmem:s16], [sflag:$0x3], $0x600, $0x38;
	[tilespmem:$0x1D680] =	vst v63  }
0x26: {  	_ =	swait.ge [sflag:s17], $0x600  }
0x27: {  	[sflag:s17] =	ssyncset.done $0x0  }
0x28: {  	s25 =	simm.s32 $0x0;
	[sflag:s17] =	ssyncadd.s32 $0xFFFFFA00  }
0x29: {  	[tilespmem:s18], [sflag:$0x3] =	stream.linear.gather [hbm4b:s2+s25], $0x80, $0x38;
	[tilespmem:$0x1D680] =	vst v63  }
0x2a: {  	_ =	swait.ge [sflag:s17], $0x80  }
0x2b: {  	[sflag:s17] =	ssyncset.done $0x0  }
0x2c: {  	[sflag:s17] =	ssyncadd.s32 $0xFFFFFF80  }
0x2d: {  	v2 =	vld [tilespmem:$0xB000]  }
0x2e: {  	v3 =	vld [tilespmem:$0xB010]  }
0x2f: {  	v4 =	vld [tilespmem:$0xB020]  }
0x30: {  	v5 =	vld [tilespmem:$0xB030]  }
0x31: {  	v6 =	vld [tilespmem:$0xB040]  }
0x32: {  	v7 =	vld [tilespmem:$0xB050]  }
0x33: {  	v8 =	vld [tilespmem:$0xB060]  }
0x34: {  	s26 =	simm.s32 $0x0;
	v9 =	vld [tilespmem:$0xB070];
	[bflag:$0x0] =	sbarrier.arrive $0xFFFF  }
.LBB2_4:
0x35: {  	s28 =	sshll.u32 s26, $0xA  }
0x36: {  	s28 =	sadd.s32 s13, s28  }
0x37: {  	s29 =	sshrl.u32 s28, $0x3  }
0x38: {  	s30 =	sadd.s32 s5, s29  }
0x39: {  	[tilespmem:s25], [sflag:$0x3] =	stream.linear.gather [hbm4b:s30+s25], $0x400, $0x38;
	[tilespmem:$0x1D680] =	vst v63  }
0x3a: {  	_ =	swait.ge [sflag:s17], $0x400  }
0x3b: {  	[sflag:s17] =	ssyncset.done $0x0  }
0x3c: {  	s29 =	sadd.s32 s6, s29;
	[sflag:s17] =	ssyncadd.s32 $0xFFFFFC00  }
0x3d: {  	[tilespmem:s19], [sflag:$0x3] =	stream.linear.gather [hbm4b:s29+s25], $0x400, $0x38;
	[tilespmem:$0x1D680] =	vst v63  }
0x3e: {  	_ =	swait.ge [sflag:s17], $0x400  }
0x3f: {  	s28 =	sshrl.u32 s28, $0x2;
	[sflag:s17] =	ssyncset.done $0x0  }
0x40: {  	s28 =	sadd.s32 s7, s28;
	[sflag:s17] =	ssyncadd.s32 $0xFFFFFC00  }
0x41: {  	[tilespmem:s20], [sflag:$0x3] =	stream.linear.gather [hbm4b:s28+s25], $0x800, $0x38;
	[tilespmem:$0x1D680] =	vst v63  }
0x42: {  	_ =	swait.ge [sflag:s17], $0x800  }
0x43: {  	[sflag:s17] =	ssyncset.done $0x0  }
0x44: {  	[sflag:s17] =	ssyncadd.s32 $0xFFFFF800  }
0x45: {  	[tilespmem:s21], [sflag:$0x1] =	stream.indirect.gather [hbm4b:s8+s19], $0x8, s25, s19, $0xb8;
	[tilespmem:$0x1D680] =	vst v63  }
0x46: {  	_ = 	snop  }
0x47: {  	v12 =	vor.u32 s25, v1;
	[tilespmem:s22], [sflag:$0x2] =	stream.indirect.gather [hbm4b:s8+s19], $0x8, s19, s19, $0xb8;
	[tilespmem:$0x1D680] =	vst v63  }
0x48: {  	v13 =	vshll.u32 v12, $0x3;
	_ =	swait.ge [sflag:s23], $0x2000  }
0x49: {  	v10 =	vor.u32 $0x4, v13;
	[sflag:s23] =	ssyncset.done $0x0  }
0x4a: {  	[sflag:s23] =	ssyncadd.s32 $0xFFFFE000  }
0x4b: {  	v11 =	vor.u32 $0x3, v13;
	_ =	swait.ge [sflag:s24], $0x2000  }
0x4c: {  	v14 =	vshll.u32 v12, $0x1;
	[sflag:s24] =	ssyncset.done $0x0  }
0x4d: {  	[sflag:s24] =	ssyncadd.s32 $0xFFFFE000  }
0x4e: {  	v16 =	vor.u32 $0x2, v13;
	v17 =	vld.idx.msk [tilespmem:v10+s22+$0x0], $0xffff  }
0x4f: {  	v18 =	vor.u32 $0x1, v13;
	v10 =	vld.idx.msk [tilespmem:v10+s21+$0x0], $0xffff  }
0x50: {  	v19 =	vld.idx.msk [tilespmem:v11+s22+$0x0], $0xffff  }
0x51: {  	v22 =	vld.idx.msk [tilespmem:v14+s20+$0x0], $0xffff  }
0x52: {  	v20 =	vor.u32 $0x1, v14;
	v11 =	vld.idx.msk [tilespmem:v11+s21+$0x0], $0xffff  }
0x53: {  	v23 =	vor.u32 $0x5, v13;
	v24 =	vld.idx.msk [tilespmem:v16+s22+$0x0], $0xffff  }
0x54: {  	v25 =	vld.idx.msk [tilespmem:v18+s22+$0x0], $0xffff  }
0x55: {  	v15 =	vld.idx.msk [tilespmem:v13+s21+$0x0], $0xffff;
	v26 =	vmul.f32 v10, v3;
	v21 =	vmul.f32 v10, v2  }
0x56: {  	v14 =	vld.idx.msk [tilespmem:v18+s21+$0x0], $0xffff;
	v27 =	vmul.f32 v19, v5;
	v18 =	vmul.f32 v17, v4  }
0x57: {  	v29 =	vld.idx.msk [tilespmem:v20+s20+$0x0], $0xffff;
	v28 =	vmul.f32 v17, v5;
	v30 =	vmul.f32 v22, v6  }
0x58: {  	v32 =	vld.idx.msk [tilespmem:v23+s22+$0x0], $0xffff;
	v31 =	vmul.f32 v11, v2;
	v33 =	vmul.f32 v24, v4  }
0x59: {  	v36 =	vld.idx.msk [tilespmem:v13+s22+$0x0], $0xffff;
	v35 =	vmul.f32 v11, v3;
	v37 =	vmul.f32 v25, v4  }
0x5a: {  	v13 =	vld.idx.msk [tilespmem:v23+s21+$0x0], $0xffff;
	v38 =	vmul.f32 v15, v2;
	v39 =	vmul.f32 v19, v4  }
0x5b: {  	v12 =	vmul.u32 $0x18, v12;
	v16 =	vld.idx.msk [tilespmem:v16+s21+$0x0], $0xffff;
	v22 =	vmul.f32 v22, v7;
	v23 =	vmul.f32 v14, v3  }
0x5c: {  	v40 =	vmul.f32 v14, v2;
	v41 =	vmul.f32 v15, v3  }
0x5d: {  	v20 =	vadd.s32 $0xA, v12;
	v42 =	vmul.f32 v32, v4;
	v43 =	vmul.f32 v29, v9  }
0x5e: {  	v17 =	vor.u32 $0x7, v12;
	v49 =	vmul.f32 v36, v4;
	v25 =	vmul.f32 v25, v5  }
0x5f: {  	v19 =	vadd.s32 $0x12, v12;
	v50 =	vmul.f32 v13, v2;
	v51 =	vmul.f32 v13, v3  }
0x60: {  	v53 =	vmul.f32 v16, v3;
	v36 =	vmul.f32 v36, v5;
	v34 =	vadd.f32 v18, v21  }
0x61: {  	v28 =	vadd.f32 v28, v26;
	v26 =	vmul.f32 v29, v8;
	v29 =	vadd.f32 v27, v35  }
0x62: {  	v27 =	vmul.f32 v32, v5;
	v31 =	vadd.f32 v39, v31;
	v32 =	vadd.f32 v49, v38  }
0x63: {  	v37 =	vadd.f32 v37, v40;
	v26 =	vadd.f32 v26, v30;
	v30 =	vmul.f32 v16, v2  }
0x64: {  	v24 =	vmul.f32 v24, v5;
	v52 =	vadd.f32 v42, v50;
	v36 =	vadd.f32 v36, v41  }
0x65: {  	v21 =	vor.u32 $0x4, v12;
	v30 =	vadd.f32 v33, v30;
	v32 =	vadd.f32 v26, v32  }
0x66: {  	v18 =	vor.u32 $0x5, v12;
	v37 =	vadd.f32 v26, v37;
	v31 =	vadd.f32 v26, v31  }
0x67: {  	v34 =	vadd.f32 v26, v34;
	v33 =	vadd.f32 v26, v52;
	v54 =	vmul.f32 $2.000000030e-01, v32  }
0x68: {  	v55 =	vmul.f32 $2.000000030e-01, v37;
	v26 =	vadd.f32 v26, v30;
	v30 =	vmul.f32 $2.000000030e-01, v31  }
0x69: {  	v23 =	vadd.f32 v25, v23;
	v56 =	vmul.f32 $2.000000030e-01, v34;
	v57 =	vmul.f32 $2.000000030e-01, v33  }
0x6a: {  	v32 =	vmax.f32 v32, v54;
	v37 =	vmax.f32 v37, v55;
	v58 =	vmul.f32 $2.000000030e-01, v26  }
0x6b: {  	v30 =	vmax.f32 v31, v30;
	v31 =	vadd.f32 v43, v22;
	v32 =	vmul.f32 $1.442695020e+00, v32  }
0x6c: {  	v22 =	vmax.f32 v33, v57;
	v37 =	vmul.f32 $1.442695020e+00, v37;
	v30 =	vmul.f32 $1.442695020e+00, v30  }
0x6d: {  	v24 =	vadd.f32 v24, v53;
	v33 =	vmul.f32 $1.442695020e+00, v22;
	(erf) = vpow2.f32 v32  }
0x6e: {  	v22 =	vmax.f32 v26, v58;
	v26 =	vadd.f32 v31, v36;
	v23 =	vadd.f32 v31, v23  }
0x6f: {  	v24 =	vadd.f32 v31, v24;
	v59 =	vmul.f32 $1.442695020e+00, v22;
	(erf) = vpow2.f32 v37  }
0x70: {  	v62 =	vadd.f32 v27, v51;
	v60 =	vmul.f32 $2.000000030e-01, v26;
	v61 =	vmul.f32 $2.000000030e-01, v23  }
0x71: {  	v25 =	vmax.f32 v34, v56;
	v27 =	vmul.f32 $2.000000030e-01, v24;
	(erf) = vpow2.f32 v59  }
0x72: {  	v25 =	vmul.f32 $1.442695020e+00, v25;
	v22 =	vor.u32 $0x2, v12;
	v26 =	vmax.f32 v26, v60  }
0x73: {  	v23 =	vmax.f32 v23, v61;
	(erf) = vpow2.f32 v30;
	v24 =	vmax.f32 v24, v27  }
0x74: {  	v27 =	vadd.f32 v31, v28;
	v26 =	vmul.f32 $1.442695020e+00, v26;
	(erf) = vpow2.f32 v25  }
0x75: {  	v28 =	vor.u32 $0x6, v12;
	v23 =	vmul.f32 $1.442695020e+00, v23;
	v63 =	vmul.f32 $1.442695020e+00, v24  }
0x76: {  	v24 =	vadd.f32 v31, v62;
	v25 =	vadd.f32 v31, v29;
	v29 =	vpop (erf);
	(erf) = vpow2.f32 v33  }
0x77: {  	s28 =	simm.s32 $0x10;
	[tilespmem:v12+s16+$0x0] =	vst.idx.msk $0xffff, v29;
	v30 =	vmul.f32 v29, v15;
	v29 =	vadd.s32 $0x8, v12;
	(erf) = vpow2.f32 v63  }
.LBB2_5:
0x78: {  	p0 =	sne.s32 s28, $0x3F0;
	v31 =	vadd.s32 $0xE, v12;
	v32 =	vmul.f32 $2.000000030e-01, v27;
	v33 =	vmul.f32 $2.000000030e-01, v24;
	v34 =	vpop (erf);
	s29 =	smov.u32 s28;
	s28 =	sadd.s32 $0x10, s28  }
0x79: {  	[tilespmem:v22+s16+$0x0] =	vst.idx.msk $0xffff, v30;
	v22 =	vmul.f32 v34, v14;
	v30 =	vadd.s32 $0xC, v12;
	(erf) = vpow2.f32 v26  }
0x7a: {  	[tilespmem:v21+s16+$0x0] =	vst.idx.msk $0xffff, v34;
	v21 =	vmul.f32 $2.000000030e-01, v25;
	v26 =	vmax.f32 v27, v32;
	v24 =	vmax.f32 v24, v33;
	v27 =	vpop (erf)  }
0x7b: {  	[tilespmem:v28+s16+$0x0] =	vst.idx.msk $0xffff, v22;
	v22 =	vmul.f32 v27, v16;
	v28 =	vadd.s32 $0x10, v12;
	(erf) = vpow2.f32 v23  }
0x7c: {  	v23 =	vmul.f32 $1.442695020e+00, v26;
	v24 =	vmul.f32 $1.442695020e+00, v24;
	[tilespmem:v29+s16+$0x0] =	vst.idx.msk $0xffff, v27;
	v21 =	vmax.f32 v25, v21;
	v25 =	vpop (erf)  }
0x7d: {  	[tilespmem:v20+s16+$0x0] =	vst.idx.msk $0xffff, v22;
	v20 =	vmul.f32 v25, v11;
	v22 =	vadd.s32 $0x14, v12;
	v21 =	vmul.f32 $1.442695020e+00, v21;
	v26 =	vpop (erf)  }
0x7e: {  	v27 =	vadd.s32 $0x16, v12;
	v29 =	vor.u32 $0x3, v12;
	[tilespmem:v30+s16+$0x0] =	vst.idx.msk $0xffff, v25;
	v25 =	vmul.f32 v26, v10  }
0x7f: {  	v30 =	vor.u32 s29, v1;
	[tilespmem:v31+s16+$0x0] =	vst.idx.msk $0xffff, v20;
	v20 =	vor.u32 $0x1, v12;
	v31 =	vpop (erf);
	(erf) = vpow2.f32 v21  }
0x80: {  	v21 =	vshll.u32 v30, $0x3;
	v32 =	vshll.u32 v30, $0x1;
	[tilespmem:v28+s16+$0x0] =	vst.idx.msk $0xffff, v26;
	v26 =	vpop (erf);
	(erf) = vpow2.f32 v23  }
0x81: {  	v23 =	vor.u32 $0x1, v21;
	v28 =	vor.u32 $0x1, v32;
	[tilespmem:v19+s16+$0x0] =	vst.idx.msk $0xffff, v25;
	v19 =	vmul.f32 v31, v13  }
0x82: {  	v33 =	vor.u32 $0x4, v21;
	v34 =	vor.u32 $0x5, v21;
	v25 =	vor.u32 $0x3, v21;
	[tilespmem:v22+s16+$0x0] =	vst.idx.msk $0xffff, v31;
	v22 =	vpop (erf)  }
0x83: {  	[tilespmem:v27+s16+$0x0] =	vst.idx.msk $0xffff, v19;
	v15 =	vmul.f32 v22, v15;
	v19 =	vadd.s32 $0x9, v12;
	(erf) = vpow2.f32 v24  }
0x84: {  	[tilespmem:v20+s16+$0x0] =	vst.idx.msk $0xffff, v22;
	v20 =	vadd.s32 $0xB, v12;
	v22 =	vpop (erf)  }
0x85: {  	[tilespmem:v29+s16+$0x0] =	vst.idx.msk $0xffff, v15;
	v14 =	vmul.f32 v22, v14;
	v15 =	vadd.s32 $0xD, v12  }
0x86: {  	[tilespmem:v18+s16+$0x0] =	vst.idx.msk $0xffff, v22;
	v18 =	vadd.s32 $0xF, v12  }
0x87: {  	v22 =	vor.u32 $0x2, v21;
	[tilespmem:v17+s16+$0x0] =	vst.idx.msk $0xffff, v14;
	v14 =	vmul.f32 v26, v16;
	v16 =	vadd.s32 $0x11, v12  }
0x88: {  	v17 =	vadd.s32 $0x13, v12;
	[tilespmem:v19+s16+$0x0] =	vst.idx.msk $0xffff, v26;
	v19 =	vpop (erf)  }
0x89: {  	[tilespmem:v20+s16+$0x0] =	vst.idx.msk $0xffff, v14;
	v24 =	vmul.f32 v19, v11;
	v14 =	vadd.s32 $0x15, v12;
	v20 =	vpop (erf)  }
0x8a: {  	v12 =	vadd.s32 $0x17, v12;
	[tilespmem:v15+s16+$0x0] =	vst.idx.msk $0xffff, v19;
	v10 =	vmul.f32 v20, v10  }
0x8b: {  	[tilespmem:v18+s16+$0x0] =	vst.idx.msk $0xffff, v24  }
0x8c: {  	[tilespmem:v16+s16+$0x0] =	vst.idx.msk $0xffff, v20;
	v11 =	vpop (erf)  }
0x8d: {  	[tilespmem:v17+s16+$0x0] =	vst.idx.msk $0xffff, v10;
	v10 =	vmul.f32 v11, v13  }
0x8e: {  	[tilespmem:v14+s16+$0x0] =	vst.idx.msk $0xffff, v11  }
0x8f: {  	[tilespmem:v12+s16+$0x0] =	vst.idx.msk $0xffff, v10  }
0x90: {  	v13 =	vld.idx.msk [tilespmem:v33+s22+$0x0], $0xffff  }
0x91: {  	v10 =	vld.idx.msk [tilespmem:v33+s21+$0x0], $0xffff  }
0x92: {  	v18 =	vld.idx.msk [tilespmem:v25+s22+$0x0], $0xffff  }
0x93: {  	v19 =	vld.idx.msk [tilespmem:v32+s20+$0x0], $0xffff  }
0x94: {  	v11 =	vld.idx.msk [tilespmem:v25+s21+$0x0], $0xffff  }
0x95: {  	v24 =	vld.idx.msk [tilespmem:v22+s22+$0x0], $0xffff  }
0x96: {  	v25 =	vld.idx.msk [tilespmem:v23+s22+$0x0], $0xffff  }
0x97: {  	v26 =	vmul.f32 v10, v3;
	v15 =	vld.idx.msk [tilespmem:v21+s21+$0x0], $0xffff  }
0x98: {  	v16 =	vmul.f32 v10, v2;
	v14 =	vld.idx.msk [tilespmem:v23+s21+$0x0], $0xffff;
	v23 =	vmul.f32 v18, v5  }
0x99: {  	v12 =	vmul.u32 $0x18, v30;
	v17 =	vmul.f32 v13, v4;
	v27 =	vld.idx.msk [tilespmem:v28+s20+$0x0], $0xffff;
	v28 =	vmul.f32 v13, v5  }
0x9a: {  	v30 =	vmul.f32 v19, v6;
	v31 =	vmul.f32 v11, v2;
	v29 =	vld.idx.msk [tilespmem:v34+s22+$0x0], $0xffff  }
0x9b: {  	v35 =	vadd.f32 v17, v16;
	v36 =	vmul.f32 v11, v3;
	v33 =	vmul.f32 v24, v4;
	v32 =	vld.idx.msk [tilespmem:v21+s22+$0x0], $0xffff  }
0x9c: {  	v17 =	vor.u32 $0x7, v12;
	v21 =	vor.u32 $0x4, v12;
	v16 =	vld.idx.msk [tilespmem:v22+s21+$0x0], $0xffff;
	v22 =	vmul.f32 v25, v4  }
0x9d: {  	v20 =	vadd.s32 $0xA, v12;
	v37 =	vmul.f32 v18, v4;
	v13 =	vld.idx.msk [tilespmem:v34+s21+$0x0], $0xffff;
	v34 =	vmul.f32 v15, v2  }
0x9e: {  	v38 =	vmul.f32 v19, v7;
	v18 =	vor.u32 $0x5, v12;
	v39 =	vmul.f32 v14, v3  }
0x9f: {  	v19 =	vadd.s32 $0x12, v12;
	v41 =	vmul.f32 v15, v3;
	v40 =	vmul.f32 v14, v2  }
0xa0: {  	v28 =	vadd.f32 v28, v26;
	v43 =	vmul.f32 v27, v9;
	v42 =	vmul.f32 v29, v4  }
0xa1: {  	v36 =	vadd.f32 v23, v36;
	v26 =	vmul.f32 v27, v8;
	v23 =	vmul.f32 v29, v5  }
0xa2: {  	v25 =	vmul.f32 v25, v5;
	v29 =	vadd.f32 v37, v31;
	v27 =	vmul.f32 v32, v4  }
0xa3: {  	v26 =	vadd.f32 v26, v30;
	v30 =	vmul.f32 v16, v2;
	v31 =	vmul.f32 v13, v2  }
0xa4: {  	v22 =	vadd.f32 v22, v40;
	v27 =	vadd.f32 v27, v34;
	v34 =	vmul.f32 v13, v3  }
0xa5: {  	v30 =	vadd.f32 v33, v30;
	v33 =	vmul.f32 v16, v3;
	v31 =	vadd.f32 v42, v31  }
0xa6: {  	v32 =	vmul.f32 v32, v5;
	v22 =	vadd.f32 v26, v22;
	v27 =	vadd.f32 v26, v27  }
0xa7: {  	v24 =	vmul.f32 v24, v5;
	v29 =	vadd.f32 v26, v29;
	v35 =	vadd.f32 v26, v35  }
0xa8: {  	v40 =	vmul.f32 $2.000000030e-01, v22;
	v37 =	vmul.f32 $2.000000030e-01, v27;
	v31 =	vadd.f32 v26, v31  }
0xa9: {  	v42 =	vmul.f32 $2.000000030e-01, v35;
	v26 =	vadd.f32 v26, v30;
	v30 =	vmul.f32 $2.000000030e-01, v29  }
0xaa: {  	v22 =	vmax.f32 v22, v40;
	v27 =	vmax.f32 v27, v37;
	v37 =	vmul.f32 $2.000000030e-01, v31  }
0xab: {  	v32 =	vadd.f32 v32, v41;
	v22 =	vmul.f32 $1.442695020e+00, v22;
	v27 =	vmul.f32 $1.442695020e+00, v27  }
0xac: {  	v40 =	vmul.f32 $2.000000030e-01, v26;
	v29 =	vmax.f32 v29, v30;
	v30 =	vadd.f32 v43, v38  }
0xad: {  	v25 =	vadd.f32 v25, v39;
	v29 =	vmul.f32 $1.442695020e+00, v29;
	v31 =	vmax.f32 v31, v37  }
0xae: {  	v24 =	vadd.f32 v24, v33;
	v31 =	vmul.f32 $1.442695020e+00, v31;
	(erf) = vpow2.f32 v27  }
0xaf: {  	v26 =	vmax.f32 v26, v40;
	v32 =	vadd.f32 v30, v32;
	v27 =	vmax.f32 v35, v42  }
0xb0: {  	v25 =	vadd.f32 v30, v25;
	v26 =	vmul.f32 $1.442695020e+00, v26;
	(erf) = vpow2.f32 v22  }
0xb1: {  	v24 =	vadd.f32 v30, v24;
	v33 =	vmul.f32 $2.000000030e-01, v32;
	v22 =	vor.u32 $0x2, v12  }
0xb2: {  	v34 =	vadd.f32 v23, v34;
	v35 =	vmul.f32 $2.000000030e-01, v25;
	(erf) = vpow2.f32 v26  }
0xb3: {  	v23 =	vmax.f32 v32, v33;
	v32 =	vmul.f32 $2.000000030e-01, v24;
	v27 =	vmul.f32 $1.442695020e+00, v27  }
.Ltmp1:
0xb4: {  	v26 =	vmul.f32 $1.442695020e+00, v23;
	v23 =	vmax.f32 v25, v35;
	(erf) = vpow2.f32 v29;
	(pc) =	sbr.rel @p0 .LBB2_5-.Ltmp1, $4  }
0xb5: {  	v24 =	vmax.f32 v24, v32;
	v23 =	vmul.f32 $1.442695020e+00, v23;
	(erf) = vpow2.f32 v27  }
0xb6: {  	v32 =	vmul.f32 $1.442695020e+00, v24;
	v24 =	vadd.f32 v30, v34;
	v27 =	vadd.f32 v30, v28  }
0xb7: {  	v25 =	vadd.f32 v30, v36;
	v28 =	vor.u32 $0x6, v12;
	v29 =	vpop (erf);
	(erf) = vpow2.f32 v31  }
0xb8: {  	[tilespmem:v12+s16+$0x0] =	vst.idx.msk $0xffff, v29;
	v30 =	vmul.f32 v29, v15;
	v29 =	vadd.s32 $0x8, v12;
	(erf) = vpow2.f32 v32  }
0xb9: {  	_ =	sdelay $0x2  }
0xba: {  	v31 =	vpop (erf);
	(erf) = vpow2.f32 v26  }
0xbb: {  	v61 =	vadd.s32 $0xC, v12;
	v63 =	vmul.f32 $2.000000030e-01, v25;
	[tilespmem:v22+s16+$0x0] =	vst.idx.msk $0xffff, v30;
	v60 =	vmul.f32 v31, v14  }
0xbc: {  	v62 =	vadd.s32 $0xE, v12;
	v32 =	vmul.f32 $2.000000030e-01, v27;
	v35 =	vadd.s32 $0x10, v12;
	[tilespmem:v21+s16+$0x0] =	vst.idx.msk $0xffff, v31;
	v33 =	vpop (erf)  }
0xbd: {  	(erf) = vpow2.f32 v23;
	v21 =	vmax.f32 v25, v63;
	[tilespmem:v28+s16+$0x0] =	vst.idx.msk $0xffff, v60;
	v34 =	vmul.f32 v33, v16  }
0xbe: {  	v36 =	vmul.f32 $2.000000030e-01, v24;
	v21 =	vmul.f32 $1.442695020e+00, v21;
	[tilespmem:v29+s16+$0x0] =	vst.idx.msk $0xffff, v33;
	v37 =	vpop (erf)  }
0xbf: {  	v39 =	vadd.s32 $0x14, v12;
	v42 =	vadd.s32 $0x16, v12;
	[tilespmem:v20+s16+$0x0] =	vst.idx.msk $0xffff, v34;
	v38 =	vmul.f32 v37, v11  }
0xc0: {  	v44 =	vor.u32 $0x1, v12;
	v27 =	vmax.f32 v27, v32;
	v41 =	vpop (erf);
	(erf) = vpow2.f32 v21;
	[tilespmem:v61+s16+$0x0] =	vst.idx.msk $0xffff, v37  }
0xc1: {  	v23 =	vmax.f32 v24, v36;
	v40 =	vmul.f32 $1.442695020e+00, v27;
	v43 =	vmul.f32 v41, v10;
	[tilespmem:v62+s16+$0x0] =	vst.idx.msk $0xffff, v38  }
0xc2: {  	v46 =	vor.u32 $0x3, v12;
	v45 =	vmul.f32 $1.442695020e+00, v23;
	v47 =	vpop (erf);
	[tilespmem:v35+s16+$0x0] =	vst.idx.msk $0xffff, v41  }
0xc3: {  	(erf) = vpow2.f32 v40;
	v48 =	vpop (erf);
	v49 =	vmul.f32 v47, v13;
	[tilespmem:v19+s16+$0x0] =	vst.idx.msk $0xffff, v43  }
0xc4: {  	v50 =	vpop (erf);
	[tilespmem:v39+s16+$0x0] =	vst.idx.msk $0xffff, v47  }
0xc5: {  	v51 =	vadd.s32 $0x9, v12;
	(erf) = vpow2.f32 v45;
	v15 =	vmul.f32 v50, v15;
	[tilespmem:v42+s16+$0x0] =	vst.idx.msk $0xffff, v49  }
0xc6: {  	v52 =	vadd.s32 $0xB, v12;
	v53 =	vpop (erf);
	[tilespmem:v44+s16+$0x0] =	vst.idx.msk $0xffff, v50  }
0xc7: {  	v55 =	vadd.s32 $0xD, v12;
	v54 =	vmul.f32 v53, v14;
	[tilespmem:v46+s16+$0x0] =	vst.idx.msk $0xffff, v15  }
0xc8: {  	v56 =	vadd.s32 $0xF, v12;
	[tilespmem:v18+s16+$0x0] =	vst.idx.msk $0xffff, v53  }
0xc9: {  	v58 =	vadd.s32 $0x11, v12;
	v57 =	vmul.f32 v48, v16;
	v60 =	vpop (erf);
	[tilespmem:v17+s16+$0x0] =	vst.idx.msk $0xffff, v54  }
0xca: {  	v59 =	vadd.s32 $0x13, v12;
	v11 =	vmul.f32 v60, v11;
	[tilespmem:v51+s16+$0x0] =	vst.idx.msk $0xffff, v48  }
0xcb: {  	v61 =	vadd.s32 $0x15, v12;
	[tilespmem:v52+s16+$0x0] =	vst.idx.msk $0xffff, v57  }
0xcc: {  	v63 =	vadd.s32 $0x17, v12;
	v62 =	vpop (erf);
	[tilespmem:v55+s16+$0x0] =	vst.idx.msk $0xffff, v60  }
0xcd: {  	v10 =	vmul.f32 v62, v10;
	[tilespmem:v56+s16+$0x0] =	vst.idx.msk $0xffff, v11  }
0xce: {  	v11 =	vpop (erf);
	[tilespmem:v58+s16+$0x0] =	vst.idx.msk $0xffff, v62  }
0xcf: {  	s26 =	sadd.s32 $0x1, s26;
	[tilespmem:v59+s16+$0x0] =	vst.idx.msk $0xffff, v10;
	v10 =	vmul.f32 v11, v13  }
0xd0: {  	p0 =	sne.s32 s26, $0x19;
	[tilespmem:v61+s16+$0x0] =	vst.idx.msk $0xffff, v11  }
.Ltmp2:
0xd1: {  	[tilespmem:v63+s16+$0x0] =	vst.idx.msk $0xffff, v10;
	(pc) =	sbr.rel @p0 .LBB2_4-.Ltmp2, $4  }
0xd2: {  	[spmem:s3] =	stream.indirect.scatter.add.f32 [tilespmem:s16], [sflag:$0x3], $0x18, s19, s19, $0xb8;
	[tilespmem:$0x1D680] =	vst v63  }
0xd3: {  	_ =	swait.ge [sflag:s17], $0x6000  }
0xd4: {  	[sflag:s17] =	ssyncset.done $0x0  }
0xd5: {  	[sflag:s17] =	ssyncadd.s32 $0xFFFFA000  }
0xd6: {  	s4 =	sadd.s32 $0x1, s4  }
0xd7: {  	s25 =	sshll.u32 s1, $0x6;
	[bflag:$0x0] =	sbarrier.arrive $0xFFFF;
	p0 =	sne.s32 s4, s15  }
.Ltmp3:
0xd8: {  	s26 =	sshrl.u32 s9, $0x3;
	s25 =	sor.u32 $0x1C03, s25;
	(pc) =	sbr.rel @p0 .LBB2_1-.Ltmp3, $4  }
0xd9: {  	[hbm:s14], [sflag:s25] =	dma.local [spmem:s26], $0x24C0  }
0xda: {  	_ =	swait.ge [sflag:s17], $0x24C0  }
0xdb: {  	[sflag:s17] =	ssyncset.done $0x0  }
0xdc: {  	[sflag:s17] =	ssyncadd.s32 $0xFFFFDB40  }
0xdd: {  	_ =	sfence.sel $0x180000  }
0xde: {  	[bflag:$0x0] =	sbarrier.arrive $0xFFFF  }
0xdf: {  	p0 =	sne.s32 s1, $0x0;
	_ =	strace $0x90000047  }
0xe0: {  	s0 =	sadd.s32 @!p0 $0x100000, s0;
	[bflag:$0x2] =	sbarrier.arrive $0xFFFF  }
0xe1: {  	[sflag:s0] =	ssyncadd.tile.s32 @!p0 $0x1;
	_ =	shalt  }
.Lfunc_end2:
_tile_overlayer_lowered:
.L_overlay_start_2:
0xe2: {  	(tag) =	ssettag $0x2  }
0xe3: {  	s0 =	rddreg [dreg:$0x0];
	s2 =	stileid.u32  }
0xe4: {  	s1 =	rddreg [dreg:$0x1];
	p0 =	sne.s32 s2, $0x0  }
0xe5: {  	s3 =	rddreg [dreg:$0x2];
	[bflag:$0x3] =	sbarrier.arrive $0xFFFF;
	s2 =	simm.s32 @!p0 $0x1C03  }
0xe6: {  	[timem:s3], [sflag:s2] =	dma.local @!p0 [hbm:s0], s1  }
0xe7: {  	s0 =	simm.s32 @!p0 $0x3  }
0xe8: {  	_ =	swait.ge @!p0 [sflag:s0], s1  }
0xe9: {  	s1 =	ssub.s32 @!p0 $0x0, s1;
	[sflag:s0] =	ssyncset.done @!p0 $0x0  }
0xea: {  	[sflag:s0] =	ssyncadd.s32 @!p0 s1  }
0xeb: {  	[bflag:$0x3] =	sbarrier.arrive $0xFFFF  }
0xec: {  	_ =	shalt  }

</sc_bundles>
